<compile_context>
chip_gen: v7x
topology: tpu7x:2x2x1
jax: 0.10.2.dev20260603
libtpu: 0.0.44.dev20260713+nightly
codegen_flags: <defaults>
</compile_context>

<pallas_src>
import functools

import jax
import jax.numpy as jnp
from jax import lax
from jax.experimental import pallas as pl
from jax.experimental.pallas import tpu as pltpu
from jax.experimental.pallas import tpu_sc as plsc

_SUB = 128
_NSUB = 4
_CHUNK = _SUB * _NSUB


def _fill_body(n_out, n_chunks, nw, feat_hbm, idx_hbm, mask_hbm, out_hbm,
               idx_v, mask_v, rows_v, sem):
    d = feat_hbm.shape[1]
    wid = lax.axis_index("s") * 2 + lax.axis_index("c")

    def chunk_body(k, carry):
        c = wid + k * nw

        @pl.when(c < n_chunks)
        def _():
            base = jnp.minimum(c * _CHUNK, n_out - _CHUNK)
            for j in range(_NSUB):
                pltpu.sync_copy(idx_hbm.at[pl.ds(base + j * _SUB, _SUB)],
                                idx_v.at[j])
            pltpu.sync_copy(mask_hbm.at[pl.ds(base, _CHUNK)], mask_v)
            copies = [
                pltpu.async_copy(feat_hbm.at[idx_v.at[j]],
                                 rows_v.at[pl.ds(j * _SUB, _SUB)], sem)
                for j in range(_NSUB)
            ]
            for cp in copies:
                cp.wait()

            def group_body(g, carry2):
                m16 = mask_v[pl.ds(g * 16, 16)]
                for i in range(16):
                    @pl.when(m16[i] == 0)
                    def _(i=i):
                        z = jnp.zeros((16,), jnp.float32)
                        for cc in range(d // 16):
                            rows_v[g * 16 + i, pl.ds(cc * 16, 16)] = z

                return carry2

            lax.fori_loop(0, _CHUNK // 16, group_body, 0)
            pltpu.sync_copy(rows_v, out_hbm.at[pl.ds(base, _CHUNK)])

        return carry

    n_my_chunks = (n_chunks + nw - 1) // nw
    lax.fori_loop(0, n_my_chunks, chunk_body, 0)


def kernel(features, out_to_in_idx, out_mask):
    n_in, d = features.shape
    n_out = out_to_in_idx.shape[0]
    idx = out_to_in_idx.astype(jnp.int32)
    mask = out_mask.astype(jnp.int32)

    info = plsc.get_sparse_core_info()
    nw = info.num_cores * info.num_subcores
    n_chunks = (n_out + _CHUNK - 1) // _CHUNK

    mesh = plsc.VectorSubcoreMesh(core_axis_name="c", subcore_axis_name="s")
    run = pl.kernel(
        functools.partial(_fill_body, n_out, n_chunks, nw),
        out_type=jax.ShapeDtypeStruct((n_out, d), jnp.float32),
        mesh=mesh,
        scratch_types=[
            pltpu.VMEM((_NSUB, _SUB), jnp.int32),
            pltpu.VMEM((_CHUNK,), jnp.int32),
            pltpu.VMEM((_CHUNK, d), jnp.float32),
            pltpu.SemaphoreType.DMA,
        ],
        compiler_params=pltpu.CompilerParams(use_tc_tiling_on_sc=False),
    )
    return run(features, idx, mask)

# --- scband reference (transcript-rebuilt; emitter-appended) ---
"""Pipeline reference for scband-fill-to-grid-63496796504734 (READ-ONLY COPY).

The authoritative reference and input builder live on the scoring server;
editing this copy changes nothing except your own understanding.
"""

import jax, jax.numpy as jnp
import numpy as np

N_IN = 1000000
N_OUT = 1500000
D = 64
DEFAULT_VALUE = 0.0

def setup_inputs(seed: int = 0) -> dict:
    key = jax.random.key(seed)
    k1, k2, k3 = jax.random.split(key, 3)
    features = jax.random.normal(k1, (N_IN, D), dtype=jnp.float32)
    out_to_in_idx = jax.random.randint(k2, (N_OUT,), 0, N_IN, dtype=jnp.int64)
    out_mask = jax.random.randint(k3, (N_OUT,), 0, 2, dtype=jnp.int32)
    return {"features": features, "out_to_in_idx": out_to_in_idx, "out_mask": out_mask}

def reference(features, out_to_in_idx, out_mask):
    # fill_to_grid: for every voxel in the target grid, copy the feature from the
    # matching voxel of the input grid; if the target voxel is absent from the
    # input grid (mask == 0), fill with default_value.
    gathered = jnp.take(features, out_to_in_idx, axis=0)  # [N_OUT, D] gather
    valid = (out_mask > 0)[:, None]
    new_feature = jnp.where(valid, gathered, jnp.float32(DEFAULT_VALUE))
    return new_feature

if __name__ == "__main__":
    import jax
    _d = setup_inputs()
    print(jax.jit(kernel)(*tuple(_d.values())))

</pallas_src>

<mosaic_0001>
#map = affine_map<(d0, d1) -> (0, 0)>
#map1 = affine_map<(d0, d1) -> (0)>
module attributes {stable_mosaic.version = 14 : i64} {
  func.func @_fill_body(%arg0: i32, %arg1: i32, %arg2: memref<1000000x64xf32, #tpu.memory_space<hbm>>, %arg3: memref<1500000xi32, #tpu.memory_space<hbm>>, %arg4: memref<1500000xi32, #tpu.memory_space<hbm>>, %arg5: memref<1500000x64xf32, #tpu.memory_space<hbm>>, %arg6: memref<4x128xi32, #tpu.memory_space<vmem>>, %arg7: memref<512xi32, #tpu.memory_space<vmem>>, %arg8: memref<512x64xf32, #tpu.memory_space<vmem>>, %arg9: memref<!tpu.dma_semaphore, #tpu.memory_space<semaphore_mem>>) attributes {dimension_semantics = [#tpu.dimension_semantics<core_parallel>, #tpu.dimension_semantics<subcore_parallel>], iteration_bounds = array<i64: 2, 16>, scalar_prefetch = 0 : i64, scratch_operands = 4 : i64, tpu.core_type = #tpu.core_type<sc_vector_subcore>, window_params = [{transform_indices = #map}, {transform_indices = #map1}, {transform_indices = #map1}, {transform_indices = #map}]} {
    %mul3A = arith.constant 2 : i32
    %mul3A_0 = arith.muli %arg1, %mul3A : i32
    %add3A = arith.addi %mul3A_0, %arg0 : i32
    %scan3A = arith.constant 0 : i32
    %scan3A_1 = arith.constant 0 : i32
    %scan3A_2 = arith.constant 92 : i32
    %scan3A_3 = arith.addi %scan3A_1, %scan3A_2 : i32
    %scan3A_4 = arith.constant 1 : i32
    scf.for %scan3A_6 = %scan3A_1 to %scan3A_3 step %scan3A_4  : i32 {
      %mul3A_7 = arith.constant 32 : i32
      %mul3A_8 = arith.muli %scan3A_6, %mul3A_7 : i32
      %add3A_9 = arith.addi %add3A, %mul3A_8 : i32
      %lt3A = arith.constant 2930 : i32
      %lt3A_10 = arith.cmpi slt, %add3A_9, %lt3A : i32
      %convert_element_type3A = arith.extui %lt3A_10 : i1 to i32
      %cond3A = arith.constant 0 : i32
      %cond3A_11 = arith.cmpi ne, %convert_element_type3A, %cond3A : i32
      scf.if %cond3A_11 {
        %mul3A_12 = arith.constant 512 : i32
        %mul3A_13 = arith.muli %add3A_9, %mul3A_12 : i32
        %min3A = arith.constant 1499488 : i32
        %min3A_14 = arith.minsi %mul3A_13, %min3A : i32
        %add3A_15 = arith.constant 0 : i32
        %add3A_16 = arith.addi %min3A_14, %add3A_15 : i32
        %run_scoped3A = arith.constant 0 : i32
        "tpu.region"() ({
          %run_scoped3A_110 = tpu.sem_alloc : memref<!tpu.dma_semaphore, #tpu.memory_space<semaphore_mem>>
          %dma_start3A_111 = arith.constant 0 : i32
          %dma_start3A_112 = tpu.memref_slice %arg6[%run_scoped3A, %dma_start3A_111] : memref<4x128xi32, #tpu.memory_space<vmem>> -> memref<1x128xi32, #tpu.memory_space<vmem>>
          %dma_start3A_113 = tpu.memref_squeeze %dma_start3A_112 : memref<1x128xi32, #tpu.memory_space<vmem>> -> memref<128xi32, #tpu.memory_space<vmem>>
          %dma_start3A_114 = tpu.memref_slice %arg3[%add3A_16] : memref<1500000xi32, #tpu.memory_space<hbm>> -> memref<128xi32, #tpu.memory_space<hbm>>
          %dma_start3A_115 = arith.constant 0 : i32
          %dma_start3A_116 = tpu.memref_slice %arg6[%run_scoped3A, %dma_start3A_115] : memref<4x128xi32, #tpu.memory_space<vmem>> -> memref<1x128xi32, #tpu.memory_space<vmem>>
          %dma_start3A_117 = tpu.memref_squeeze %dma_start3A_116 : memref<1x128xi32, #tpu.memory_space<vmem>> -> memref<128xi32, #tpu.memory_space<vmem>>
          %dma_start3A_118 = tpu.memref_slice %arg3[%add3A_16] : memref<1500000xi32, #tpu.memory_space<hbm>> -> memref<128xi32, #tpu.memory_space<hbm>>
          tpu.enqueue_dma source(%dma_start3A_118 : memref<128xi32, #tpu.memory_space<hbm>>) target(%dma_start3A_117 : memref<128xi32, #tpu.memory_space<vmem>>) target_semaphore(%run_scoped3A_110 : memref<!tpu.dma_semaphore, #tpu.memory_space<semaphore_mem>>)
          %dma_wait3A_119 = arith.constant 0 : i32
          %dma_wait3A_120 = tpu.memref_slice %arg6[%run_scoped3A, %dma_wait3A_119] : memref<4x128xi32, #tpu.memory_space<vmem>> -> memref<1x128xi32, #tpu.memory_space<vmem>>
          %dma_wait3A_121 = tpu.memref_squeeze %dma_wait3A_120 : memref<1x128xi32, #tpu.memory_space<vmem>> -> memref<128xi32, #tpu.memory_space<vmem>>
          %dma_wait3A_122 = tpu.memref_slice %arg3[%add3A_16] : memref<1500000xi32, #tpu.memory_space<hbm>> -> memref<128xi32, #tpu.memory_space<hbm>>
          %dma_wait3A_123 = arith.constant 0 : i32
          %dma_wait3A_124 = tpu.memref_slice %arg6[%run_scoped3A, %dma_wait3A_123] : memref<4x128xi32, #tpu.memory_space<vmem>> -> memref<1x128xi32, #tpu.memory_space<vmem>>
          %dma_wait3A_125 = tpu.memref_squeeze %dma_wait3A_124 : memref<1x128xi32, #tpu.memory_space<vmem>> -> memref<128xi32, #tpu.memory_space<vmem>>
          %dma_wait3A_126 = tpu.memref_slice %arg3[%add3A_16] : memref<1500000xi32, #tpu.memory_space<hbm>> -> memref<128xi32, #tpu.memory_space<hbm>>
          tpu.wait_dma2 semaphore(%run_scoped3A_110 : memref<!tpu.dma_semaphore, #tpu.memory_space<semaphore_mem>>) src(%dma_wait3A_126 : memref<128xi32, #tpu.memory_space<hbm>>) dst(%dma_wait3A_125 : memref<128xi32, #tpu.memory_space<vmem>>)
          tpu.yield
        }) : () -> ()
        %add3A_17 = arith.constant 128 : i32
        %add3A_18 = arith.addi %min3A_14, %add3A_17 : i32
        %run_scoped3A_19 = arith.constant 1 : i32
        "tpu.region"() ({
          %run_scoped3A_110 = tpu.sem_alloc : memref<!tpu.dma_semaphore, #tpu.memory_space<semaphore_mem>>
          %dma_start3A_111 = arith.constant 0 : i32
          %dma_start3A_112 = tpu.memref_slice %arg6[%run_scoped3A_19, %dma_start3A_111] : memref<4x128xi32, #tpu.memory_space<vmem>> -> memref<1x128xi32, #tpu.memory_space<vmem>>
          %dma_start3A_113 = tpu.memref_squeeze %dma_start3A_112 : memref<1x128xi32, #tpu.memory_space<vmem>> -> memref<128xi32, #tpu.memory_space<vmem>>
          %dma_start3A_114 = tpu.memref_slice %arg3[%add3A_18] : memref<1500000xi32, #tpu.memory_space<hbm>> -> memref<128xi32, #tpu.memory_space<hbm>>
          %dma_start3A_115 = arith.constant 0 : i32
          %dma_start3A_116 = tpu.memref_slice %arg6[%run_scoped3A_19, %dma_start3A_115] : memref<4x128xi32, #tpu.memory_space<vmem>> -> memref<1x128xi32, #tpu.memory_space<vmem>>
          %dma_start3A_117 = tpu.memref_squeeze %dma_start3A_116 : memref<1x128xi32, #tpu.memory_space<vmem>> -> memref<128xi32, #tpu.memory_space<vmem>>
          %dma_start3A_118 = tpu.memref_slice %arg3[%add3A_18] : memref<1500000xi32, #tpu.memory_space<hbm>> -> memref<128xi32, #tpu.memory_space<hbm>>
          tpu.enqueue_dma source(%dma_start3A_118 : memref<128xi32, #tpu.memory_space<hbm>>) target(%dma_start3A_117 : memref<128xi32, #tpu.memory_space<vmem>>) target_semaphore(%run_scoped3A_110 : memref<!tpu.dma_semaphore, #tpu.memory_space<semaphore_mem>>)
          %dma_wait3A_119 = arith.constant 0 : i32
          %dma_wait3A_120 = tpu.memref_slice %arg6[%run_scoped3A_19, %dma_wait3A_119] : memref<4x128xi32, #tpu.memory_space<vmem>> -> memref<1x128xi32, #tpu.memory_space<vmem>>
          %dma_wait3A_121 = tpu.memref_squeeze %dma_wait3A_120 : memref<1x128xi32, #tpu.memory_space<vmem>> -> memref<128xi32, #tpu.memory_space<vmem>>
          %dma_wait3A_122 = tpu.memref_slice %arg3[%add3A_18] : memref<1500000xi32, #tpu.memory_space<hbm>> -> memref<128xi32, #tpu.memory_space<hbm>>
          %dma_wait3A_123 = arith.constant 0 : i32
          %dma_wait3A_124 = tpu.memref_slice %arg6[%run_scoped3A_19, %dma_wait3A_123] : memref<4x128xi32, #tpu.memory_space<vmem>> -> memref<1x128xi32, #tpu.memory_space<vmem>>
          %dma_wait3A_125 = tpu.memref_squeeze %dma_wait3A_124 : memref<1x128xi32, #tpu.memory_space<vmem>> -> memref<128xi32, #tpu.memory_space<vmem>>
          %dma_wait3A_126 = tpu.memref_slice %arg3[%add3A_18] : memref<1500000xi32, #tpu.memory_space<hbm>> -> memref<128xi32, #tpu.memory_space<hbm>>
          tpu.wait_dma2 semaphore(%run_scoped3A_110 : memref<!tpu.dma_semaphore, #tpu.memory_space<semaphore_mem>>) src(%dma_wait3A_126 : memref<128xi32, #tpu.memory_space<hbm>>) dst(%dma_wait3A_125 : memref<128xi32, #tpu.memory_space<vmem>>)
          tpu.yield
        }) : () -> ()
        %add3A_20 = arith.constant 256 : i32
        %add3A_21 = arith.addi %min3A_14, %add3A_20 : i32
        %run_scoped3A_22 = arith.constant 2 : i32
        "tpu.region"() ({
          %run_scoped3A_110 = tpu.sem_alloc : memref<!tpu.dma_semaphore, #tpu.memory_space<semaphore_mem>>
          %dma_start3A_111 = arith.constant 0 : i32
          %dma_start3A_112 = tpu.memref_slice %arg6[%run_scoped3A_22, %dma_start3A_111] : memref<4x128xi32, #tpu.memory_space<vmem>> -> memref<1x128xi32, #tpu.memory_space<vmem>>
          %dma_start3A_113 = tpu.memref_squeeze %dma_start3A_112 : memref<1x128xi32, #tpu.memory_space<vmem>> -> memref<128xi32, #tpu.memory_space<vmem>>
          %dma_start3A_114 = tpu.memref_slice %arg3[%add3A_21] : memref<1500000xi32, #tpu.memory_space<hbm>> -> memref<128xi32, #tpu.memory_space<hbm>>
          %dma_start3A_115 = arith.constant 0 : i32
          %dma_start3A_116 = tpu.memref_slice %arg6[%run_scoped3A_22, %dma_start3A_115] : memref<4x128xi32, #tpu.memory_space<vmem>> -> memref<1x128xi32, #tpu.memory_space<vmem>>
          %dma_start3A_117 = tpu.memref_squeeze %dma_start3A_116 : memref<1x128xi32, #tpu.memory_space<vmem>> -> memref<128xi32, #tpu.memory_space<vmem>>
          %dma_start3A_118 = tpu.memref_slice %arg3[%add3A_21] : memref<1500000xi32, #tpu.memory_space<hbm>> -> memref<128xi32, #tpu.memory_space<hbm>>
          tpu.enqueue_dma source(%dma_start3A_118 : memref<128xi32, #tpu.memory_space<hbm>>) target(%dma_start3A_117 : memref<128xi32, #tpu.memory_space<vmem>>) target_semaphore(%run_scoped3A_110 : memref<!tpu.dma_semaphore, #tpu.memory_space<semaphore_mem>>)
          %dma_wait3A_119 = arith.constant 0 : i32
          %dma_wait3A_120 = tpu.memref_slice %arg6[%run_scoped3A_22, %dma_wait3A_119] : memref<4x128xi32, #tpu.memory_space<vmem>> -> memref<1x128xi32, #tpu.memory_space<vmem>>
          %dma_wait3A_121 = tpu.memref_squeeze %dma_wait3A_120 : memref<1x128xi32, #tpu.memory_space<vmem>> -> memref<128xi32, #tpu.memory_space<vmem>>
          %dma_wait3A_122 = tpu.memref_slice %arg3[%add3A_21] : memref<1500000xi32, #tpu.memory_space<hbm>> -> memref<128xi32, #tpu.memory_space<hbm>>
          %dma_wait3A_123 = arith.constant 0 : i32
          %dma_wait3A_124 = tpu.memref_slice %arg6[%run_scoped3A_22, %dma_wait3A_123] : memref<4x128xi32, #tpu.memory_space<vmem>> -> memref<1x128xi32, #tpu.memory_space<vmem>>
          %dma_wait3A_125 = tpu.memref_squeeze %dma_wait3A_124 : memref<1x128xi32, #tpu.memory_space<vmem>> -> memref<128xi32, #tpu.memory_space<vmem>>
          %dma_wait3A_126 = tpu.memref_slice %arg3[%add3A_21] : memref<1500000xi32, #tpu.memory_space<hbm>> -> memref<128xi32, #tpu.memory_space<hbm>>
          tpu.wait_dma2 semaphore(%run_scoped3A_110 : memref<!tpu.dma_semaphore, #tpu.memory_space<semaphore_mem>>) src(%dma_wait3A_126 : memref<128xi32, #tpu.memory_space<hbm>>) dst(%dma_wait3A_125 : memref<128xi32, #tpu.memory_space<vmem>>)
          tpu.yield
        }) : () -> ()
        %add3A_23 = arith.constant 384 : i32
        %add3A_24 = arith.addi %min3A_14, %add3A_23 : i32
        %run_scoped3A_25 = arith.constant 3 : i32
        "tpu.region"() ({
          %run_scoped3A_110 = tpu.sem_alloc : memref<!tpu.dma_semaphore, #tpu.memory_space<semaphore_mem>>
          %dma_start3A_111 = arith.constant 0 : i32
          %dma_start3A_112 = tpu.memref_slice %arg6[%run_scoped3A_25, %dma_start3A_111] : memref<4x128xi32, #tpu.memory_space<vmem>> -> memref<1x128xi32, #tpu.memory_space<vmem>>
          %dma_start3A_113 = tpu.memref_squeeze %dma_start3A_112 : memref<1x128xi32, #tpu.memory_space<vmem>> -> memref<128xi32, #tpu.memory_space<vmem>>
          %dma_start3A_114 = tpu.memref_slice %arg3[%add3A_24] : memref<1500000xi32, #tpu.memory_space<hbm>> -> memref<128xi32, #tpu.memory_space<hbm>>
          %dma_start3A_115 = arith.constant 0 : i32
          %dma_start3A_116 = tpu.memref_slice %arg6[%run_scoped3A_25, %dma_start3A_115] : memref<4x128xi32, #tpu.memory_space<vmem>> -> memref<1x128xi32, #tpu.memory_space<vmem>>
          %dma_start3A_117 = tpu.memref_squeeze %dma_start3A_116 : memref<1x128xi32, #tpu.memory_space<vmem>> -> memref<128xi32, #tpu.memory_space<vmem>>
          %dma_start3A_118 = tpu.memref_slice %arg3[%add3A_24] : memref<1500000xi32, #tpu.memory_space<hbm>> -> memref<128xi32, #tpu.memory_space<hbm>>
          tpu.enqueue_dma source(%dma_start3A_118 : memref<128xi32, #tpu.memory_space<hbm>>) target(%dma_start3A_117 : memref<128xi32, #tpu.memory_space<vmem>>) target_semaphore(%run_scoped3A_110 : memref<!tpu.dma_semaphore, #tpu.memory_space<semaphore_mem>>)
          %dma_wait3A_119 = arith.constant 0 : i32
          %dma_wait3A_120 = tpu.memref_slice %arg6[%run_scoped3A_25, %dma_wait3A_119] : memref<4x128xi32, #tpu.memory_space<vmem>> -> memref<1x128xi32, #tpu.memory_space<vmem>>
          %dma_wait3A_121 = tpu.memref_squeeze %dma_wait3A_120 : memref<1x128xi32, #tpu.memory_space<vmem>> -> memref<128xi32, #tpu.memory_space<vmem>>
          %dma_wait3A_122 = tpu.memref_slice %arg3[%add3A_24] : memref<1500000xi32, #tpu.memory_space<hbm>> -> memref<128xi32, #tpu.memory_space<hbm>>
          %dma_wait3A_123 = arith.constant 0 : i32
          %dma_wait3A_124 = tpu.memref_slice %arg6[%run_scoped3A_25, %dma_wait3A_123] : memref<4x128xi32, #tpu.memory_space<vmem>> -> memref<1x128xi32, #tpu.memory_space<vmem>>
          %dma_wait3A_125 = tpu.memref_squeeze %dma_wait3A_124 : memref<1x128xi32, #tpu.memory_space<vmem>> -> memref<128xi32, #tpu.memory_space<vmem>>
          %dma_wait3A_126 = tpu.memref_slice %arg3[%add3A_24] : memref<1500000xi32, #tpu.memory_space<hbm>> -> memref<128xi32, #tpu.memory_space<hbm>>
          tpu.wait_dma2 semaphore(%run_scoped3A_110 : memref<!tpu.dma_semaphore, #tpu.memory_space<semaphore_mem>>) src(%dma_wait3A_126 : memref<128xi32, #tpu.memory_space<hbm>>) dst(%dma_wait3A_125 : memref<128xi32, #tpu.memory_space<vmem>>)
          tpu.yield
        }) : () -> ()
        "tpu.region"() ({
          %run_scoped3A_110 = tpu.sem_alloc : memref<!tpu.dma_semaphore, #tpu.memory_space<semaphore_mem>>
          %dma_start3A_111 = tpu.memref_slice %arg4[%min3A_14] : memref<1500000xi32, #tpu.memory_space<hbm>> -> memref<512xi32, #tpu.memory_space<hbm>>
          %dma_start3A_112 = tpu.memref_slice %arg4[%min3A_14] : memref<1500000xi32, #tpu.memory_space<hbm>> -> memref<512xi32, #tpu.memory_space<hbm>>
          tpu.enqueue_dma source(%dma_start3A_112 : memref<512xi32, #tpu.memory_space<hbm>>) target(%arg7 : memref<512xi32, #tpu.memory_space<vmem>>) target_semaphore(%run_scoped3A_110 : memref<!tpu.dma_semaphore, #tpu.memory_space<semaphore_mem>>)
          %dma_wait3A_113 = tpu.memref_slice %arg4[%min3A_14] : memref<1500000xi32, #tpu.memory_space<hbm>> -> memref<512xi32, #tpu.memory_space<hbm>>
          %dma_wait3A_114 = tpu.memref_slice %arg4[%min3A_14] : memref<1500000xi32, #tpu.memory_space<hbm>> -> memref<512xi32, #tpu.memory_space<hbm>>
          tpu.wait_dma2 semaphore(%run_scoped3A_110 : memref<!tpu.dma_semaphore, #tpu.memory_space<semaphore_mem>>) src(%dma_wait3A_114 : memref<512xi32, #tpu.memory_space<hbm>>) dst(%arg7 : memref<512xi32, #tpu.memory_space<vmem>>)
          tpu.yield
        }) : () -> ()
        %dma_start3A = arith.constant 0 : i32
        %dma_start3A_26 = arith.constant 0 : i32
        %dma_start3A_27 = arith.constant 0 : i32
        %dma_start3A_28 = tpu.memref_slice %arg8[%dma_start3A_26, %dma_start3A_27] : memref<512x64xf32, #tpu.memory_space<vmem>> -> memref<128x64xf32, #tpu.memory_space<vmem>>
        %dma_start3A_29 = arith.constant 0 : i32
        %dma_start3A_30 = tpu.memref_slice %arg6[%dma_start3A, %dma_start3A_29] : memref<4x128xi32, #tpu.memory_space<vmem>> -> memref<1x128xi32, #tpu.memory_space<vmem>>
        %dma_start3A_31 = tpu.memref_squeeze %dma_start3A_30 : memref<1x128xi32, #tpu.memory_space<vmem>> -> memref<128xi32, #tpu.memory_space<vmem>>
        %dma_start3A_32 = arith.constant 0 : i32
        %dma_start3A_33 = arith.constant 0 : i32
        %dma_start3A_34 = tpu.memref_slice %arg2[%dma_start3A_32, %dma_start3A_33] : memref<1000000x64xf32, #tpu.memory_space<hbm>> -> memref<1000000x64xf32, #tpu.memory_space<hbm>>
        tpu.enqueue_indirect_dma source(%dma_start3A_34 : memref<1000000x64xf32, #tpu.memory_space<hbm>>) target(%dma_start3A_28 : memref<128x64xf32, #tpu.memory_space<vmem>>) offsets(%dma_start3A_31 : memref<128xi32, #tpu.memory_space<vmem>>) semaphore(%arg9 : memref<!tpu.dma_semaphore, #tpu.memory_space<semaphore_mem>>)
        %dma_start3A_35 = arith.constant 1 : i32
        %dma_start3A_36 = arith.constant 128 : i32
        %dma_start3A_37 = arith.constant 0 : i32
        %dma_start3A_38 = tpu.memref_slice %arg8[%dma_start3A_36, %dma_start3A_37] : memref<512x64xf32, #tpu.memory_space<vmem>> -> memref<128x64xf32, #tpu.memory_space<vmem>>
        %dma_start3A_39 = arith.constant 0 : i32
        %dma_start3A_40 = tpu.memref_slice %arg6[%dma_start3A_35, %dma_start3A_39] : memref<4x128xi32, #tpu.memory_space<vmem>> -> memref<1x128xi32, #tpu.memory_space<vmem>>
        %dma_start3A_41 = tpu.memref_squeeze %dma_start3A_40 : memref<1x128xi32, #tpu.memory_space<vmem>> -> memref<128xi32, #tpu.memory_space<vmem>>
        %dma_start3A_42 = arith.constant 0 : i32
        %dma_start3A_43 = arith.constant 0 : i32
        %dma_start3A_44 = tpu.memref_slice %arg2[%dma_start3A_42, %dma_start3A_43] : memref<1000000x64xf32, #tpu.memory_space<hbm>> -> memref<1000000x64xf32, #tpu.memory_space<hbm>>
        tpu.enqueue_indirect_dma source(%dma_start3A_44 : memref<1000000x64xf32, #tpu.memory_space<hbm>>) target(%dma_start3A_38 : memref<128x64xf32, #tpu.memory_space<vmem>>) offsets(%dma_start3A_41 : memref<128xi32, #tpu.memory_space<vmem>>) semaphore(%arg9 : memref<!tpu.dma_semaphore, #tpu.memory_space<semaphore_mem>>)
        %dma_start3A_45 = arith.constant 2 : i32
        %dma_start3A_46 = arith.constant 256 : i32
        %dma_start3A_47 = arith.constant 0 : i32
        %dma_start3A_48 = tpu.memref_slice %arg8[%dma_start3A_46, %dma_start3A_47] : memref<512x64xf32, #tpu.memory_space<vmem>> -> memref<128x64xf32, #tpu.memory_space<vmem>>
        %dma_start3A_49 = arith.constant 0 : i32
        %dma_start3A_50 = tpu.memref_slice %arg6[%dma_start3A_45, %dma_start3A_49] : memref<4x128xi32, #tpu.memory_space<vmem>> -> memref<1x128xi32, #tpu.memory_space<vmem>>
        %dma_start3A_51 = tpu.memref_squeeze %dma_start3A_50 : memref<1x128xi32, #tpu.memory_space<vmem>> -> memref<128xi32, #tpu.memory_space<vmem>>
        %dma_start3A_52 = arith.constant 0 : i32
        %dma_start3A_53 = arith.constant 0 : i32
        %dma_start3A_54 = tpu.memref_slice %arg2[%dma_start3A_52, %dma_start3A_53] : memref<1000000x64xf32, #tpu.memory_space<hbm>> -> memref<1000000x64xf32, #tpu.memory_space<hbm>>
        tpu.enqueue_indirect_dma source(%dma_start3A_54 : memref<1000000x64xf32, #tpu.memory_space<hbm>>) target(%dma_start3A_48 : memref<128x64xf32, #tpu.memory_space<vmem>>) offsets(%dma_start3A_51 : memref<128xi32, #tpu.memory_space<vmem>>) semaphore(%arg9 : memref<!tpu.dma_semaphore, #tpu.memory_space<semaphore_mem>>)
        %dma_start3A_55 = arith.constant 3 : i32
        %dma_start3A_56 = arith.constant 384 : i32
        %dma_start3A_57 = arith.constant 0 : i32
        %dma_start3A_58 = tpu.memref_slice %arg8[%dma_start3A_56, %dma_start3A_57] : memref<512x64xf32, #tpu.memory_space<vmem>> -> memref<128x64xf32, #tpu.memory_space<vmem>>
        %dma_start3A_59 = arith.constant 0 : i32
        %dma_start3A_60 = tpu.memref_slice %arg6[%dma_start3A_55, %dma_start3A_59] : memref<4x128xi32, #tpu.memory_space<vmem>> -> memref<1x128xi32, #tpu.memory_space<vmem>>
        %dma_start3A_61 = tpu.memref_squeeze %dma_start3A_60 : memref<1x128xi32, #tpu.memory_space<vmem>> -> memref<128xi32, #tpu.memory_space<vmem>>
        %dma_start3A_62 = arith.constant 0 : i32
        %dma_start3A_63 = arith.constant 0 : i32
        %dma_start3A_64 = tpu.memref_slice %arg2[%dma_start3A_62, %dma_start3A_63] : memref<1000000x64xf32, #tpu.memory_space<hbm>> -> memref<1000000x64xf32, #tpu.memory_space<hbm>>
        tpu.enqueue_indirect_dma source(%dma_start3A_64 : memref<1000000x64xf32, #tpu.memory_space<hbm>>) target(%dma_start3A_58 : memref<128x64xf32, #tpu.memory_space<vmem>>) offsets(%dma_start3A_61 : memref<128xi32, #tpu.memory_space<vmem>>) semaphore(%arg9 : memref<!tpu.dma_semaphore, #tpu.memory_space<semaphore_mem>>)
        %dma_wait3A = arith.constant 0 : i32
        %dma_wait3A_65 = arith.constant 0 : i32
        %dma_wait3A_66 = arith.constant 0 : i32
        %dma_wait3A_67 = tpu.memref_slice %arg8[%dma_wait3A_65, %dma_wait3A_66] : memref<512x64xf32, #tpu.memory_space<vmem>> -> memref<128x64xf32, #tpu.memory_space<vmem>>
        %dma_wait3A_68 = arith.constant 0 : i32
        %dma_wait3A_69 = tpu.memref_slice %arg6[%dma_wait3A, %dma_wait3A_68] : memref<4x128xi32, #tpu.memory_space<vmem>> -> memref<1x128xi32, #tpu.memory_space<vmem>>
        %dma_wait3A_70 = tpu.memref_squeeze %dma_wait3A_69 : memref<1x128xi32, #tpu.memory_space<vmem>> -> memref<128xi32, #tpu.memory_space<vmem>>
        %dma_wait3A_71 = arith.constant 0 : i32
        %dma_wait3A_72 = arith.constant 0 : i32
        %dma_wait3A_73 = tpu.memref_slice %arg2[%dma_wait3A_71, %dma_wait3A_72] : memref<1000000x64xf32, #tpu.memory_space<hbm>> -> memref<1000000x64xf32, #tpu.memory_space<hbm>>
        tpu.wait_indirect_dma semaphore(%arg9 : memref<!tpu.dma_semaphore, #tpu.memory_space<semaphore_mem>>) src(%dma_wait3A_73 : memref<1000000x64xf32, #tpu.memory_space<hbm>>) dst(%dma_wait3A_67 : memref<128x64xf32, #tpu.memory_space<vmem>>)
        %dma_wait3A_74 = arith.constant 1 : i32
        %dma_wait3A_75 = arith.constant 128 : i32
        %dma_wait3A_76 = arith.constant 0 : i32
        %dma_wait3A_77 = tpu.memref_slice %arg8[%dma_wait3A_75, %dma_wait3A_76] : memref<512x64xf32, #tpu.memory_space<vmem>> -> memref<128x64xf32, #tpu.memory_space<vmem>>
        %dma_wait3A_78 = arith.constant 0 : i32
        %dma_wait3A_79 = tpu.memref_slice %arg6[%dma_wait3A_74, %dma_wait3A_78] : memref<4x128xi32, #tpu.memory_space<vmem>> -> memref<1x128xi32, #tpu.memory_space<vmem>>
        %dma_wait3A_80 = tpu.memref_squeeze %dma_wait3A_79 : memref<1x128xi32, #tpu.memory_space<vmem>> -> memref<128xi32, #tpu.memory_space<vmem>>
        %dma_wait3A_81 = arith.constant 0 : i32
        %dma_wait3A_82 = arith.constant 0 : i32
        %dma_wait3A_83 = tpu.memref_slice %arg2[%dma_wait3A_81, %dma_wait3A_82] : memref<1000000x64xf32, #tpu.memory_space<hbm>> -> memref<1000000x64xf32, #tpu.memory_space<hbm>>
        tpu.wait_indirect_dma semaphore(%arg9 : memref<!tpu.dma_semaphore, #tpu.memory_space<semaphore_mem>>) src(%dma_wait3A_83 : memref<1000000x64xf32, #tpu.memory_space<hbm>>) dst(%dma_wait3A_77 : memref<128x64xf32, #tpu.memory_space<vmem>>)
        %dma_wait3A_84 = arith.constant 2 : i32
        %dma_wait3A_85 = arith.constant 256 : i32
        %dma_wait3A_86 = arith.constant 0 : i32
        %dma_wait3A_87 = tpu.memref_slice %arg8[%dma_wait3A_85, %dma_wait3A_86] : memref<512x64xf32, #tpu.memory_space<vmem>> -> memref<128x64xf32, #tpu.memory_space<vmem>>
        %dma_wait3A_88 = arith.constant 0 : i32
        %dma_wait3A_89 = tpu.memref_slice %arg6[%dma_wait3A_84, %dma_wait3A_88] : memref<4x128xi32, #tpu.memory_space<vmem>> -> memref<1x128xi32, #tpu.memory_space<vmem>>
        %dma_wait3A_90 = tpu.memref_squeeze %dma_wait3A_89 : memref<1x128xi32, #tpu.memory_space<vmem>> -> memref<128xi32, #tpu.memory_space<vmem>>
        %dma_wait3A_91 = arith.constant 0 : i32
        %dma_wait3A_92 = arith.constant 0 : i32
        %dma_wait3A_93 = tpu.memref_slice %arg2[%dma_wait3A_91, %dma_wait3A_92] : memref<1000000x64xf32, #tpu.memory_space<hbm>> -> memref<1000000x64xf32, #tpu.memory_space<hbm>>
        tpu.wait_indirect_dma semaphore(%arg9 : memref<!tpu.dma_semaphore, #tpu.memory_space<semaphore_mem>>) src(%dma_wait3A_93 : memref<1000000x64xf32, #tpu.memory_space<hbm>>) dst(%dma_wait3A_87 : memref<128x64xf32, #tpu.memory_space<vmem>>)
        %dma_wait3A_94 = arith.constant 3 : i32
        %dma_wait3A_95 = arith.constant 384 : i32
        %dma_wait3A_96 = arith.constant 0 : i32
        %dma_wait3A_97 = tpu.memref_slice %arg8[%dma_wait3A_95, %dma_wait3A_96] : memref<512x64xf32, #tpu.memory_space<vmem>> -> memref<128x64xf32, #tpu.memory_space<vmem>>
        %dma_wait3A_98 = arith.constant 0 : i32
        %dma_wait3A_99 = tpu.memref_slice %arg6[%dma_wait3A_94, %dma_wait3A_98] : memref<4x128xi32, #tpu.memory_space<vmem>> -> memref<1x128xi32, #tpu.memory_space<vmem>>
        %dma_wait3A_100 = tpu.memref_squeeze %dma_wait3A_99 : memref<1x128xi32, #tpu.memory_space<vmem>> -> memref<128xi32, #tpu.memory_space<vmem>>
        %dma_wait3A_101 = arith.constant 0 : i32
        %dma_wait3A_102 = arith.constant 0 : i32
        %dma_wait3A_103 = tpu.memref_slice %arg2[%dma_wait3A_101, %dma_wait3A_102] : memref<1000000x64xf32, #tpu.memory_space<hbm>> -> memref<1000000x64xf32, #tpu.memory_space<hbm>>
        tpu.wait_indirect_dma semaphore(%arg9 : memref<!tpu.dma_semaphore, #tpu.memory_space<semaphore_mem>>) src(%dma_wait3A_103 : memref<1000000x64xf32, #tpu.memory_space<hbm>>) dst(%dma_wait3A_97 : memref<128x64xf32, #tpu.memory_space<vmem>>)
        %scan3A_104 = arith.constant 0 : i32
        %scan3A_105 = arith.constant 0 : i32
        %scan3A_106 = arith.constant 32 : i32
        %scan3A_107 = arith.addi %scan3A_105, %scan3A_106 : i32
        %scan3A_108 = arith.constant 1 : i32
        scf.for %scan3A_110 = %scan3A_105 to %scan3A_107 step %scan3A_108  : i32 {
          %mul3A_111 = arith.constant 16 : i32
          %mul3A_112 = arith.muli %scan3A_110, %mul3A_111 : i32
          %get3A = arith.index_cast %mul3A_112 : i32 to index
          %get3A_113 = tpu.vector_load %arg7[%get3A] {strides = array<i32>} : memref<512xi32, #tpu.memory_space<vmem>>, vector<16xi32>,
          %get3A_114 = vector.shape_cast %get3A_113 : vector<16xi32> to vector<16xi32>
          %slice3A = vector.extract_strided_slice %get3A_114 {offsets = [0], sizes = [1], strides = [1]} : vector<16xi32> to vector<1xi32>
          %squeeze3A = vector.extract %slice3A[0] : i32 from vector<1xi32>
          %eq3A = arith.constant 0 : i32
          %eq3A_115 = arith.cmpi eq, %squeeze3A, %eq3A : i32
          %convert_element_type3A_116 = arith.extui %eq3A_115 : i1 to i32
          %cond3A_117 = arith.constant 0 : i32
          %cond3A_118 = arith.cmpi ne, %convert_element_type3A_116, %cond3A_117 : i32
          scf.if %cond3A_118 {
            %broadcast_in_dim3A = arith.constant 0.000000e+00 : f32
            %broadcast_in_dim3A_224 = vector.broadcast %broadcast_in_dim3A : f32 to vector<16xf32>
            %mul3A_225 = arith.constant 16 : i32
            %mul3A_226 = arith.muli %scan3A_110, %mul3A_225 : i32
            %add3A_227 = arith.constant 0 : i32
            %add3A_228 = arith.addi %mul3A_226, %add3A_227 : i32
            %swap3A = arith.index_cast %add3A_228 : i32 to index
            %swap3A_229 = arith.constant 0 : index
            %swap3A_230 = tpu.vector_load %arg8[%swap3A, %swap3A_229] {strides = array<i32>} : memref<512x64xf32, #tpu.memory_space<vmem>>, vector<1x16xf32>,
            %swap3A_231 = vector.shape_cast %swap3A_230 : vector<1x16xf32> to vector<16xf32>
            %swap3A_232 = vector.shape_cast %broadcast_in_dim3A_224 : vector<16xf32> to vector<1x16xf32>
            tpu.vector_store %arg8[%swap3A, %swap3A_229], %swap3A_232 {strides = array<i32>} : memref<512x64xf32, #tpu.memory_space<vmem>>, vector<1x16xf32>,
            %mul3A_233 = arith.constant 16 : i32
            %mul3A_234 = arith.muli %scan3A_110, %mul3A_233 : i32
            %add3A_235 = arith.constant 0 : i32
            %add3A_236 = arith.addi %mul3A_234, %add3A_235 : i32
            %swap3A_237 = arith.index_cast %add3A_236 : i32 to index
            %swap3A_238 = arith.constant 16 : index
            %swap3A_239 = tpu.vector_load %arg8[%swap3A_237, %swap3A_238] {strides = array<i32>} : memref<512x64xf32, #tpu.memory_space<vmem>>, vector<1x16xf32>,
            %swap3A_240 = vector.shape_cast %swap3A_239 : vector<1x16xf32> to vector<16xf32>
            %swap3A_241 = vector.shape_cast %broadcast_in_dim3A_224 : vector<16xf32> to vector<1x16xf32>
            tpu.vector_store %arg8[%swap3A_237, %swap3A_238], %swap3A_241 {strides = array<i32>} : memref<512x64xf32, #tpu.memory_space<vmem>>, vector<1x16xf32>,
            %mul3A_242 = arith.constant 16 : i32
            %mul3A_243 = arith.muli %scan3A_110, %mul3A_242 : i32
            %add3A_244 = arith.constant 0 : i32
            %add3A_245 = arith.addi %mul3A_243, %add3A_244 : i32
            %swap3A_246 = arith.index_cast %add3A_245 : i32 to index
            %swap3A_247 = arith.constant 32 : index
            %swap3A_248 = tpu.vector_load %arg8[%swap3A_246, %swap3A_247] {strides = array<i32>} : memref<512x64xf32, #tpu.memory_space<vmem>>, vector<1x16xf32>,
            %swap3A_249 = vector.shape_cast %swap3A_248 : vector<1x16xf32> to vector<16xf32>
            %swap3A_250 = vector.shape_cast %broadcast_in_dim3A_224 : vector<16xf32> to vector<1x16xf32>
            tpu.vector_store %arg8[%swap3A_246, %swap3A_247], %swap3A_250 {strides = array<i32>} : memref<512x64xf32, #tpu.memory_space<vmem>>, vector<1x16xf32>,
            %mul3A_251 = arith.constant 16 : i32
            %mul3A_252 = arith.muli %scan3A_110, %mul3A_251 : i32
            %add3A_253 = arith.constant 0 : i32
            %add3A_254 = arith.addi %mul3A_252, %add3A_253 : i32
            %swap3A_255 = arith.index_cast %add3A_254 : i32 to index
            %swap3A_256 = arith.constant 48 : index
            %swap3A_257 = tpu.vector_load %arg8[%swap3A_255, %swap3A_256] {strides = array<i32>} : memref<512x64xf32, #tpu.memory_space<vmem>>, vector<1x16xf32>,
            %swap3A_258 = vector.shape_cast %swap3A_257 : vector<1x16xf32> to vector<16xf32>
            %swap3A_259 = vector.shape_cast %broadcast_in_dim3A_224 : vector<16xf32> to vector<1x16xf32>
            tpu.vector_store %arg8[%swap3A_255, %swap3A_256], %swap3A_259 {strides = array<i32>} : memref<512x64xf32, #tpu.memory_space<vmem>>, vector<1x16xf32>,
          } else {
          }
          %slice3A_119 = vector.extract_strided_slice %get3A_114 {offsets = [1], sizes = [1], strides = [1]} : vector<16xi32> to vector<1xi32>
          %squeeze3A_120 = vector.extract %slice3A_119[0] : i32 from vector<1xi32>
          %eq3A_121 = arith.constant 0 : i32
          %eq3A_122 = arith.cmpi eq, %squeeze3A_120, %eq3A_121 : i32
          %convert_element_type3A_123 = arith.extui %eq3A_122 : i1 to i32
          %cond3A_124 = arith.constant 0 : i32
          %cond3A_125 = arith.cmpi ne, %convert_element_type3A_123, %cond3A_124 : i32
          scf.if %cond3A_125 {
            %broadcast_in_dim3A = arith.constant 0.000000e+00 : f32
            %broadcast_in_dim3A_224 = vector.broadcast %broadcast_in_dim3A : f32 to vector<16xf32>
            %mul3A_225 = arith.constant 16 : i32
            %mul3A_226 = arith.muli %scan3A_110, %mul3A_225 : i32
            %add3A_227 = arith.constant 1 : i32
            %add3A_228 = arith.addi %mul3A_226, %add3A_227 : i32
            %swap3A = arith.index_cast %add3A_228 : i32 to index
            %swap3A_229 = arith.constant 0 : index
            %swap3A_230 = tpu.vector_load %arg8[%swap3A, %swap3A_229] {strides = array<i32>} : memref<512x64xf32, #tpu.memory_space<vmem>>, vector<1x16xf32>,
            %swap3A_231 = vector.shape_cast %swap3A_230 : vector<1x16xf32> to vector<16xf32>
            %swap3A_232 = vector.shape_cast %broadcast_in_dim3A_224 : vector<16xf32> to vector<1x16xf32>
            tpu.vector_store %arg8[%swap3A, %swap3A_229], %swap3A_232 {strides = array<i32>} : memref<512x64xf32, #tpu.memory_space<vmem>>, vector<1x16xf32>,
            %mul3A_233 = arith.constant 16 : i32
            %mul3A_234 = arith.muli %scan3A_110, %mul3A_233 : i32
            %add3A_235 = arith.constant 1 : i32
            %add3A_236 = arith.addi %mul3A_234, %add3A_235 : i32
            %swap3A_237 = arith.index_cast %add3A_236 : i32 to index
            %swap3A_238 = arith.constant 16 : index
            %swap3A_239 = tpu.vector_load %arg8[%swap3A_237, %swap3A_238] {strides = array<i32>} : memref<512x64xf32, #tpu.memory_space<vmem>>, vector<1x16xf32>,
            %swap3A_240 = vector.shape_cast %swap3A_239 : vector<1x16xf32> to vector<16xf32>
            %swap3A_241 = vector.shape_cast %broadcast_in_dim3A_224 : vector<16xf32> to vector<1x16xf32>
            tpu.vector_store %arg8[%swap3A_237, %swap3A_238], %swap3A_241 {strides = array<i32>} : memref<512x64xf32, #tpu.memory_space<vmem>>, vector<1x16xf32>,
            %mul3A_242 = arith.constant 16 : i32
            %mul3A_243 = arith.muli %scan3A_110, %mul3A_242 : i32
            %add3A_244 = arith.constant 1 : i32
            %add3A_245 = arith.addi %mul3A_243, %add3A_244 : i32
            %swap3A_246 = arith.index_cast %add3A_245 : i32 to index
            %swap3A_247 = arith.constant 32 : index
            %swap3A_248 = tpu.vector_load %arg8[%swap3A_246, %swap3A_247] {strides = array<i32>} : memref<512x64xf32, #tpu.memory_space<vmem>>, vector<1x16xf32>,
            %swap3A_249 = vector.shape_cast %swap3A_248 : vector<1x16xf32> to vector<16xf32>
            %swap3A_250 = vector.shape_cast %broadcast_in_dim3A_224 : vector<16xf32> to vector<1x16xf32>
            tpu.vector_store %arg8[%swap3A_246, %swap3A_247], %swap3A_250 {strides = array<i32>} : memref<512x64xf32, #tpu.memory_space<vmem>>, vector<1x16xf32>,
            %mul3A_251 = arith.constant 16 : i32
            %mul3A_252 = arith.muli %scan3A_110, %mul3A_251 : i32
            %add3A_253 = arith.constant 1 : i32
            %add3A_254 = arith.addi %mul3A_252, %add3A_253 : i32
            %swap3A_255 = arith.index_cast %add3A_254 : i32 to index
            %swap3A_256 = arith.constant 48 : index
            %swap3A_257 = tpu.vector_load %arg8[%swap3A_255, %swap3A_256] {strides = array<i32>} : memref<512x64xf32, #tpu.memory_space<vmem>>, vector<1x16xf32>,
            %swap3A_258 = vector.shape_cast %swap3A_257 : vector<1x16xf32> to vector<16xf32>
            %swap3A_259 = vector.shape_cast %broadcast_in_dim3A_224 : vector<16xf32> to vector<1x16xf32>
            tpu.vector_store %arg8[%swap3A_255, %swap3A_256], %swap3A_259 {strides = array<i32>} : memref<512x64xf32, #tpu.memory_space<vmem>>, vector<1x16xf32>,
          } else {
          }
          %slice3A_126 = vector.extract_strided_slice %get3A_114 {offsets = [2], sizes = [1], strides = [1]} : vector<16xi32> to vector<1xi32>
          %squeeze3A_127 = vector.extract %slice3A_126[0] : i32 from vector<1xi32>
          %eq3A_128 = arith.constant 0 : i32
          %eq3A_129 = arith.cmpi eq, %squeeze3A_127, %eq3A_128 : i32
          %convert_element_type3A_130 = arith.extui %eq3A_129 : i1 to i32
          %cond3A_131 = arith.constant 0 : i32
          %cond3A_132 = arith.cmpi ne, %convert_element_type3A_130, %cond3A_131 : i32
          scf.if %cond3A_132 {
            %broadcast_in_dim3A = arith.constant 0.000000e+00 : f32
            %broadcast_in_dim3A_224 = vector.broadcast %broadcast_in_dim3A : f32 to vector<16xf32>
            %mul3A_225 = arith.constant 16 : i32
            %mul3A_226 = arith.muli %scan3A_110, %mul3A_225 : i32
            %add3A_227 = arith.constant 2 : i32
            %add3A_228 = arith.addi %mul3A_226, %add3A_227 : i32
            %swap3A = arith.index_cast %add3A_228 : i32 to index
            %swap3A_229 = arith.constant 0 : index
            %swap3A_230 = tpu.vector_load %arg8[%swap3A, %swap3A_229] {strides = array<i32>} : memref<512x64xf32, #tpu.memory_space<vmem>>, vector<1x16xf32>,
            %swap3A_231 = vector.shape_cast %swap3A_230 : vector<1x16xf32> to vector<16xf32>
            %swap3A_232 = vector.shape_cast %broadcast_in_dim3A_224 : vector<16xf32> to vector<1x16xf32>
            tpu.vector_store %arg8[%swap3A, %swap3A_229], %swap3A_232 {strides = array<i32>} : memref<512x64xf32, #tpu.memory_space<vmem>>, vector<1x16xf32>,
            %mul3A_233 = arith.constant 16 : i32
            %mul3A_234 = arith.muli %scan3A_110, %mul3A_233 : i32
            %add3A_235 = arith.constant 2 : i32
            %add3A_236 = arith.addi %mul3A_234, %add3A_235 : i32
            %swap3A_237 = arith.index_cast %add3A_236 : i32 to index
            %swap3A_238 = arith.constant 16 : index
            %swap3A_239 = tpu.vector_load %arg8[%swap3A_237, %swap3A_238] {strides = array<i32>} : memref<512x64xf32, #tpu.memory_space<vmem>>, vector<1x16xf32>,
            %swap3A_240 = vector.shape_cast %swap3A_239 : vector<1x16xf32> to vector<16xf32>
            %swap3A_241 = vector.shape_cast %broadcast_in_dim3A_224 : vector<16xf32> to vector<1x16xf32>
            tpu.vector_store %arg8[%swap3A_237, %swap3A_238], %swap3A_241 {strides = array<i32>} : memref<512x64xf32, #tpu.memory_space<vmem>>, vector<1x16xf32>,
            %mul3A_242 = arith.constant 16 : i32
            %mul3A_243 = arith.muli %scan3A_110, %mul3A_242 : i32
            %add3A_244 = arith.constant 2 : i32
            %add3A_245 = arith.addi %mul3A_243, %add3A_244 : i32
            %swap3A_246 = arith.index_cast %add3A_245 : i32 to index
            %swap3A_247 = arith.constant 32 : index
            %swap3A_248 = tpu.vector_load %arg8[%swap3A_246, %swap3A_247] {strides = array<i32>} : memref<512x64xf32, #tpu.memory_space<vmem>>, vector<1x16xf32>,
            %swap3A_249 = vector.shape_cast %swap3A_248 : vector<1x16xf32> to vector<16xf32>
            %swap3A_250 = vector.shape_cast %broadcast_in_dim3A_224 : vector<16xf32> to vector<1x16xf32>
            tpu.vector_store %arg8[%swap3A_246, %swap3A_247], %swap3A_250 {strides = array<i32>} : memref<512x64xf32, #tpu.memory_space<vmem>>, vector<1x16xf32>,
            %mul3A_251 = arith.constant 16 : i32
            %mul3A_252 = arith.muli %scan3A_110, %mul3A_251 : i32
            %add3A_253 = arith.constant 2 : i32
            %add3A_254 = arith.addi %mul3A_252, %add3A_253 : i32
            %swap3A_255 = arith.index_cast %add3A_254 : i32 to index
            %swap3A_256 = arith.constant 48 : index
            %swap3A_257 = tpu.vector_load %arg8[%swap3A_255, %swap3A_256] {strides = array<i32>} : memref<512x64xf32, #tpu.memory_space<vmem>>, vector<1x16xf32>,
            %swap3A_258 = vector.shape_cast %swap3A_257 : vector<1x16xf32> to vector<16xf32>
            %swap3A_259 = vector.shape_cast %broadcast_in_dim3A_224 : vector<16xf32> to vector<1x16xf32>
            tpu.vector_store %arg8[%swap3A_255, %swap3A_256], %swap3A_259 {strides = array<i32>} : memref<512x64xf32, #tpu.memory_space<vmem>>, vector<1x16xf32>,
          } else {
          }
          %slice3A_133 = vector.extract_strided_slice %get3A_114 {offsets = [3], sizes = [1], strides = [1]} : vector<16xi32> to vector<1xi32>
          %squeeze3A_134 = vector.extract %slice3A_133[0] : i32 from vector<1xi32>
          %eq3A_135 = arith.constant 0 : i32
          %eq3A_136 = arith.cmpi eq, %squeeze3A_134, %eq3A_135 : i32
          %convert_element_type3A_137 = arith.extui %eq3A_136 : i1 to i32
          %cond3A_138 = arith.constant 0 : i32
          %cond3A_139 = arith.cmpi ne, %convert_element_type3A_137, %cond3A_138 : i32
          scf.if %cond3A_139 {
            %broadcast_in_dim3A = arith.constant 0.000000e+00 : f32
            %broadcast_in_dim3A_224 = vector.broadcast %broadcast_in_dim3A : f32 to vector<16xf32>
            %mul3A_225 = arith.constant 16 : i32
            %mul3A_226 = arith.muli %scan3A_110, %mul3A_225 : i32
            %add3A_227 = arith.constant 3 : i32
            %add3A_228 = arith.addi %mul3A_226, %add3A_227 : i32
            %swap3A = arith.index_cast %add3A_228 : i32 to index
            %swap3A_229 = arith.constant 0 : index
            %swap3A_230 = tpu.vector_load %arg8[%swap3A, %swap3A_229] {strides = array<i32>} : memref<512x64xf32, #tpu.memory_space<vmem>>, vector<1x16xf32>,
            %swap3A_231 = vector.shape_cast %swap3A_230 : vector<1x16xf32> to vector<16xf32>
            %swap3A_232 = vector.shape_cast %broadcast_in_dim3A_224 : vector<16xf32> to vector<1x16xf32>
            tpu.vector_store %arg8[%swap3A, %swap3A_229], %swap3A_232 {strides = array<i32>} : memref<512x64xf32, #tpu.memory_space<vmem>>, vector<1x16xf32>,
            %mul3A_233 = arith.constant 16 : i32
            %mul3A_234 = arith.muli %scan3A_110, %mul3A_233 : i32
            %add3A_235 = arith.constant 3 : i32
            %add3A_236 = arith.addi %mul3A_234, %add3A_235 : i32
            %swap3A_237 = arith.index_cast %add3A_236 : i32 to index
            %swap3A_238 = arith.constant 16 : index
            %swap3A_239 = tpu.vector_load %arg8[%swap3A_237, %swap3A_238] {strides = array<i32>} : memref<512x64xf32, #tpu.memory_space<vmem>>, vector<1x16xf32>,
            %swap3A_240 = vector.shape_cast %swap3A_239 : vector<1x16xf32> to vector<16xf32>
            %swap3A_241 = vector.shape_cast %broadcast_in_dim3A_224 : vector<16xf32> to vector<1x16xf32>
            tpu.vector_store %arg8[%swap3A_237, %swap3A_238], %swap3A_241 {strides = array<i32>} : memref<512x64xf32, #tpu.memory_space<vmem>>, vector<1x16xf32>,
            %mul3A_242 = arith.constant 16 : i32
            %mul3A_243 = arith.muli %scan3A_110, %mul3A_242 : i32
            %add3A_244 = arith.constant 3 : i32
            %add3A_245 = arith.addi %mul3A_243, %add3A_244 : i32
            %swap3A_246 = arith.index_cast %add3A_245 : i32 to index
            %swap3A_247 = arith.constant 32 : index
            %swap3A_248 = tpu.vector_load %arg8[%swap3A_246, %swap3A_247] {strides = array<i32>} : memref<512x64xf32, #tpu.memory_space<vmem>>, vector<1x16xf32>,
            %swap3A_249 = vector.shape_cast %swap3A_248 : vector<1x16xf32> to vector<16xf32>
            %swap3A_250 = vector.shape_cast %broadcast_in_dim3A_224 : vector<16xf32> to vector<1x16xf32>
            tpu.vector_store %arg8[%swap3A_246, %swap3A_247], %swap3A_250 {strides = array<i32>} : memref<512x64xf32, #tpu.memory_space<vmem>>, vector<1x16xf32>,
            %mul3A_251 = arith.constant 16 : i32
            %mul3A_252 = arith.muli %scan3A_110, %mul3A_251 : i32
            %add3A_253 = arith.constant 3 : i32
            %add3A_254 = arith.addi %mul3A_252, %add3A_253 : i32
            %swap3A_255 = arith.index_cast %add3A_254 : i32 to index
            %swap3A_256 = arith.constant 48 : index
            %swap3A_257 = tpu.vector_load %arg8[%swap3A_255, %swap3A_256] {strides = array<i32>} : memref<512x64xf32, #tpu.memory_space<vmem>>, vector<1x16xf32>,
            %swap3A_258 = vector.shape_cast %swap3A_257 : vector<1x16xf32> to vector<16xf32>
            %swap3A_259 = vector.shape_cast %broadcast_in_dim3A_224 : vector<16xf32> to vector<1x16xf32>
            tpu.vector_store %arg8[%swap3A_255, %swap3A_256], %swap3A_259 {strides = array<i32>} : memref<512x64xf32, #tpu.memory_space<vmem>>, vector<1x16xf32>,
          } else {
          }
          %slice3A_140 = vector.extract_strided_slice %get3A_114 {offsets = [4], sizes = [1], strides = [1]} : vector<16xi32> to vector<1xi32>
          %squeeze3A_141 = vector.extract %slice3A_140[0] : i32 from vector<1xi32>
          %eq3A_142 = arith.constant 0 : i32
          %eq3A_143 = arith.cmpi eq, %squeeze3A_141, %eq3A_142 : i32
          %convert_element_type3A_144 = arith.extui %eq3A_143 : i1 to i32
          %cond3A_145 = arith.constant 0 : i32
          %cond3A_146 = arith.cmpi ne, %convert_element_type3A_144, %cond3A_145 : i32
          scf.if %cond3A_146 {
            %broadcast_in_dim3A = arith.constant 0.000000e+00 : f32
            %broadcast_in_dim3A_224 = vector.broadcast %broadcast_in_dim3A : f32 to vector<16xf32>
            %mul3A_225 = arith.constant 16 : i32
            %mul3A_226 = arith.muli %scan3A_110, %mul3A_225 : i32
            %add3A_227 = arith.constant 4 : i32
            %add3A_228 = arith.addi %mul3A_226, %add3A_227 : i32
            %swap3A = arith.index_cast %add3A_228 : i32 to index
            %swap3A_229 = arith.constant 0 : index
            %swap3A_230 = tpu.vector_load %arg8[%swap3A, %swap3A_229] {strides = array<i32>} : memref<512x64xf32, #tpu.memory_space<vmem>>, vector<1x16xf32>,
            %swap3A_231 = vector.shape_cast %swap3A_230 : vector<1x16xf32> to vector<16xf32>
            %swap3A_232 = vector.shape_cast %broadcast_in_dim3A_224 : vector<16xf32> to vector<1x16xf32>
            tpu.vector_store %arg8[%swap3A, %swap3A_229], %swap3A_232 {strides = array<i32>} : memref<512x64xf32, #tpu.memory_space<vmem>>, vector<1x16xf32>,
            %mul3A_233 = arith.constant 16 : i32
            %mul3A_234 = arith.muli %scan3A_110, %mul3A_233 : i32
            %add3A_235 = arith.constant 4 : i32
            %add3A_236 = arith.addi %mul3A_234, %add3A_235 : i32
            %swap3A_237 = arith.index_cast %add3A_236 : i32 to index
            %swap3A_238 = arith.constant 16 : index
            %swap3A_239 = tpu.vector_load %arg8[%swap3A_237, %swap3A_238] {strides = array<i32>} : memref<512x64xf32, #tpu.memory_space<vmem>>, vector<1x16xf32>,
            %swap3A_240 = vector.shape_cast %swap3A_239 : vector<1x16xf32> to vector<16xf32>
            %swap3A_241 = vector.shape_cast %broadcast_in_dim3A_224 : vector<16xf32> to vector<1x16xf32>
            tpu.vector_store %arg8[%swap3A_237, %swap3A_238], %swap3A_241 {strides = array<i32>} : memref<512x64xf32, #tpu.memory_space<vmem>>, vector<1x16xf32>,
            %mul3A_242 = arith.constant 16 : i32
            %mul3A_243 = arith.muli %scan3A_110, %mul3A_242 : i32
            %add3A_244 = arith.constant 4 : i32
            %add3A_245 = arith.addi %mul3A_243, %add3A_244 : i32
            %swap3A_246 = arith.index_cast %add3A_245 : i32 to index
            %swap3A_247 = arith.constant 32 : index
            %swap3A_248 = tpu.vector_load %arg8[%swap3A_246, %swap3A_247] {strides = array<i32>} : memref<512x64xf32, #tpu.memory_space<vmem>>, vector<1x16xf32>,
            %swap3A_249 = vector.shape_cast %swap3A_248 : vector<1x16xf32> to vector<16xf32>
            %swap3A_250 = vector.shape_cast %broadcast_in_dim3A_224 : vector<16xf32> to vector<1x16xf32>
            tpu.vector_store %arg8[%swap3A_246, %swap3A_247], %swap3A_250 {strides = array<i32>} : memref<512x64xf32, #tpu.memory_space<vmem>>, vector<1x16xf32>,
            %mul3A_251 = arith.constant 16 : i32
            %mul3A_252 = arith.muli %scan3A_110, %mul3A_251 : i32
            %add3A_253 = arith.constant 4 : i32
            %add3A_254 = arith.addi %mul3A_252, %add3A_253 : i32
            %swap3A_255 = arith.index_cast %add3A_254 : i32 to index
            %swap3A_256 = arith.constant 48 : index
            %swap3A_257 = tpu.vector_load %arg8[%swap3A_255, %swap3A_256] {strides = array<i32>} : memref<512x64xf32, #tpu.memory_space<vmem>>, vector<1x16xf32>,
            %swap3A_258 = vector.shape_cast %swap3A_257 : vector<1x16xf32> to vector<16xf32>
            %swap3A_259 = vector.shape_cast %broadcast_in_dim3A_224 : vector<16xf32> to vector<1x16xf32>
            tpu.vector_store %arg8[%swap3A_255, %swap3A_256], %swap3A_259 {strides = array<i32>} : memref<512x64xf32, #tpu.memory_space<vmem>>, vector<1x16xf32>,
          } else {
          }
          %slice3A_147 = vector.extract_strided_slice %get3A_114 {offsets = [5], sizes = [1], strides = [1]} : vector<16xi32> to vector<1xi32>
          %squeeze3A_148 = vector.extract %slice3A_147[0] : i32 from vector<1xi32>
          %eq3A_149 = arith.constant 0 : i32
          %eq3A_150 = arith.cmpi eq, %squeeze3A_148, %eq3A_149 : i32
          %convert_element_type3A_151 = arith.extui %eq3A_150 : i1 to i32
          %cond3A_152 = arith.constant 0 : i32
          %cond3A_153 = arith.cmpi ne, %convert_element_type3A_151, %cond3A_152 : i32
          scf.if %cond3A_153 {
            %broadcast_in_dim3A = arith.constant 0.000000e+00 : f32
            %broadcast_in_dim3A_224 = vector.broadcast %broadcast_in_dim3A : f32 to vector<16xf32>
            %mul3A_225 = arith.constant 16 : i32
            %mul3A_226 = arith.muli %scan3A_110, %mul3A_225 : i32
            %add3A_227 = arith.constant 5 : i32
            %add3A_228 = arith.addi %mul3A_226, %add3A_227 : i32
            %swap3A = arith.index_cast %add3A_228 : i32 to index
            %swap3A_229 = arith.constant 0 : index
            %swap3A_230 = tpu.vector_load %arg8[%swap3A, %swap3A_229] {strides = array<i32>} : memref<512x64xf32, #tpu.memory_space<vmem>>, vector<1x16xf32>,
            %swap3A_231 = vector.shape_cast %swap3A_230 : vector<1x16xf32> to vector<16xf32>
            %swap3A_232 = vector.shape_cast %broadcast_in_dim3A_224 : vector<16xf32> to vector<1x16xf32>
            tpu.vector_store %arg8[%swap3A, %swap3A_229], %swap3A_232 {strides = array<i32>} : memref<512x64xf32, #tpu.memory_space<vmem>>, vector<1x16xf32>,
            %mul3A_233 = arith.constant 16 : i32
            %mul3A_234 = arith.muli %scan3A_110, %mul3A_233 : i32
            %add3A_235 = arith.constant 5 : i32
            %add3A_236 = arith.addi %mul3A_234, %add3A_235 : i32
            %swap3A_237 = arith.index_cast %add3A_236 : i32 to index
            %swap3A_238 = arith.constant 16 : index
            %swap3A_239 = tpu.vector_load %arg8[%swap3A_237, %swap3A_238] {strides = array<i32>} : memref<512x64xf32, #tpu.memory_space<vmem>>, vector<1x16xf32>,
            %swap3A_240 = vector.shape_cast %swap3A_239 : vector<1x16xf32> to vector<16xf32>
            %swap3A_241 = vector.shape_cast %broadcast_in_dim3A_224 : vector<16xf32> to vector<1x16xf32>
            tpu.vector_store %arg8[%swap3A_237, %swap3A_238], %swap3A_241 {strides = array<i32>} : memref<512x64xf32, #tpu.memory_space<vmem>>, vector<1x16xf32>,
            %mul3A_242 = arith.constant 16 : i32
            %mul3A_243 = arith.muli %scan3A_110, %mul3A_242 : i32
            %add3A_244 = arith.constant 5 : i32
            %add3A_245 = arith.addi %mul3A_243, %add3A_244 : i32
            %swap3A_246 = arith.index_cast %add3A_245 : i32 to index
            %swap3A_247 = arith.constant 32 : index
            %swap3A_248 = tpu.vector_load %arg8[%swap3A_246, %swap3A_247] {strides = array<i32>} : memref<512x64xf32, #tpu.memory_space<vmem>>, vector<1x16xf32>,
            %swap3A_249 = vector.shape_cast %swap3A_248 : vector<1x16xf32> to vector<16xf32>
            %swap3A_250 = vector.shape_cast %broadcast_in_dim3A_224 : vector<16xf32> to vector<1x16xf32>
            tpu.vector_store %arg8[%swap3A_246, %swap3A_247], %swap3A_250 {strides = array<i32>} : memref<512x64xf32, #tpu.memory_space<vmem>>, vector<1x16xf32>,
            %mul3A_251 = arith.constant 16 : i32
            %mul3A_252 = arith.muli %scan3A_110, %mul3A_251 : i32
            %add3A_253 = arith.constant 5 : i32
            %add3A_254 = arith.addi %mul3A_252, %add3A_253 : i32
            %swap3A_255 = arith.index_cast %add3A_254 : i32 to index
            %swap3A_256 = arith.constant 48 : index
            %swap3A_257 = tpu.vector_load %arg8[%swap3A_255, %swap3A_256] {strides = array<i32>} : memref<512x64xf32, #tpu.memory_space<vmem>>, vector<1x16xf32>,
            %swap3A_258 = vector.shape_cast %swap3A_257 : vector<1x16xf32> to vector<16xf32>
            %swap3A_259 = vector.shape_cast %broadcast_in_dim3A_224 : vector<16xf32> to vector<1x16xf32>
            tpu.vector_store %arg8[%swap3A_255, %swap3A_256], %swap3A_259 {strides = array<i32>} : memref<512x64xf32, #tpu.memory_space<vmem>>, vector<1x16xf32>,
          } else {
          }
          %slice3A_154 = vector.extract_strided_slice %get3A_114 {offsets = [6], sizes = [1], strides = [1]} : vector<16xi32> to vector<1xi32>
          %squeeze3A_155 = vector.extract %slice3A_154[0] : i32 from vector<1xi32>
          %eq3A_156 = arith.constant 0 : i32
          %eq3A_157 = arith.cmpi eq, %squeeze3A_155, %eq3A_156 : i32
          %convert_element_type3A_158 = arith.extui %eq3A_157 : i1 to i32
          %cond3A_159 = arith.constant 0 : i32
          %cond3A_160 = arith.cmpi ne, %convert_element_type3A_158, %cond3A_159 : i32
          scf.if %cond3A_160 {
            %broadcast_in_dim3A = arith.constant 0.000000e+00 : f32
            %broadcast_in_dim3A_224 = vector.broadcast %broadcast_in_dim3A : f32 to vector<16xf32>
            %mul3A_225 = arith.constant 16 : i32
            %mul3A_226 = arith.muli %scan3A_110, %mul3A_225 : i32
            %add3A_227 = arith.constant 6 : i32
            %add3A_228 = arith.addi %mul3A_226, %add3A_227 : i32
            %swap3A = arith.index_cast %add3A_228 : i32 to index
            %swap3A_229 = arith.constant 0 : index
            %swap3A_230 = tpu.vector_load %arg8[%swap3A, %swap3A_229] {strides = array<i32>} : memref<512x64xf32, #tpu.memory_space<vmem>>, vector<1x16xf32>,
            %swap3A_231 = vector.shape_cast %swap3A_230 : vector<1x16xf32> to vector<16xf32>
            %swap3A_232 = vector.shape_cast %broadcast_in_dim3A_224 : vector<16xf32> to vector<1x16xf32>
            tpu.vector_store %arg8[%swap3A, %swap3A_229], %swap3A_232 {strides = array<i32>} : memref<512x64xf32, #tpu.memory_space<vmem>>, vector<1x16xf32>,
            %mul3A_233 = arith.constant 16 : i32
            %mul3A_234 = arith.muli %scan3A_110, %mul3A_233 : i32
            %add3A_235 = arith.constant 6 : i32
            %add3A_236 = arith.addi %mul3A_234, %add3A_235 : i32
            %swap3A_237 = arith.index_cast %add3A_236 : i32 to index
            %swap3A_238 = arith.constant 16 : index
            %swap3A_239 = tpu.vector_load %arg8[%swap3A_237, %swap3A_238] {strides = array<i32>} : memref<512x64xf32, #tpu.memory_space<vmem>>, vector<1x16xf32>,
            %swap3A_240 = vector.shape_cast %swap3A_239 : vector<1x16xf32> to vector<16xf32>
            %swap3A_241 = vector.shape_cast %broadcast_in_dim3A_224 : vector<16xf32> to vector<1x16xf32>
            tpu.vector_store %arg8[%swap3A_237, %swap3A_238], %swap3A_241 {strides = array<i32>} : memref<512x64xf32, #tpu.memory_space<vmem>>, vector<1x16xf32>,
            %mul3A_242 = arith.constant 16 : i32
            %mul3A_243 = arith.muli %scan3A_110, %mul3A_242 : i32
            %add3A_244 = arith.constant 6 : i32
            %add3A_245 = arith.addi %mul3A_243, %add3A_244 : i32
            %swap3A_246 = arith.index_cast %add3A_245 : i32 to index
            %swap3A_247 = arith.constant 32 : index
            %swap3A_248 = tpu.vector_load %arg8[%swap3A_246, %swap3A_247] {strides = array<i32>} : memref<512x64xf32, #tpu.memory_space<vmem>>, vector<1x16xf32>,
            %swap3A_249 = vector.shape_cast %swap3A_248 : vector<1x16xf32> to vector<16xf32>
            %swap3A_250 = vector.shape_cast %broadcast_in_dim3A_224 : vector<16xf32> to vector<1x16xf32>
            tpu.vector_store %arg8[%swap3A_246, %swap3A_247], %swap3A_250 {strides = array<i32>} : memref<512x64xf32, #tpu.memory_space<vmem>>, vector<1x16xf32>,
            %mul3A_251 = arith.constant 16 : i32
            %mul3A_252 = arith.muli %scan3A_110, %mul3A_251 : i32
            %add3A_253 = arith.constant 6 : i32
            %add3A_254 = arith.addi %mul3A_252, %add3A_253 : i32
            %swap3A_255 = arith.index_cast %add3A_254 : i32 to index
            %swap3A_256 = arith.constant 48 : index
            %swap3A_257 = tpu.vector_load %arg8[%swap3A_255, %swap3A_256] {strides = array<i32>} : memref<512x64xf32, #tpu.memory_space<vmem>>, vector<1x16xf32>,
            %swap3A_258 = vector.shape_cast %swap3A_257 : vector<1x16xf32> to vector<16xf32>
            %swap3A_259 = vector.shape_cast %broadcast_in_dim3A_224 : vector<16xf32> to vector<1x16xf32>
            tpu.vector_store %arg8[%swap3A_255, %swap3A_256], %swap3A_259 {strides = array<i32>} : memref<512x64xf32, #tpu.memory_space<vmem>>, vector<1x16xf32>,
          } else {
          }
          %slice3A_161 = vector.extract_strided_slice %get3A_114 {offsets = [7], sizes = [1], strides = [1]} : vector<16xi32> to vector<1xi32>
          %squeeze3A_162 = vector.extract %slice3A_161[0] : i32 from vector<1xi32>
          %eq3A_163 = arith.constant 0 : i32
          %eq3A_164 = arith.cmpi eq, %squeeze3A_162, %eq3A_163 : i32
          %convert_element_type3A_165 = arith.extui %eq3A_164 : i1 to i32
          %cond3A_166 = arith.constant 0 : i32
          %cond3A_167 = arith.cmpi ne, %convert_element_type3A_165, %cond3A_166 : i32
          scf.if %cond3A_167 {
            %broadcast_in_dim3A = arith.constant 0.000000e+00 : f32
            %broadcast_in_dim3A_224 = vector.broadcast %broadcast_in_dim3A : f32 to vector<16xf32>
            %mul3A_225 = arith.constant 16 : i32
            %mul3A_226 = arith.muli %scan3A_110, %mul3A_225 : i32
            %add3A_227 = arith.constant 7 : i32
            %add3A_228 = arith.addi %mul3A_226, %add3A_227 : i32
            %swap3A = arith.index_cast %add3A_228 : i32 to index
            %swap3A_229 = arith.constant 0 : index
            %swap3A_230 = tpu.vector_load %arg8[%swap3A, %swap3A_229] {strides = array<i32>} : memref<512x64xf32, #tpu.memory_space<vmem>>, vector<1x16xf32>,
            %swap3A_231 = vector.shape_cast %swap3A_230 : vector<1x16xf32> to vector<16xf32>
            %swap3A_232 = vector.shape_cast %broadcast_in_dim3A_224 : vector<16xf32> to vector<1x16xf32>
            tpu.vector_store %arg8[%swap3A, %swap3A_229], %swap3A_232 {strides = array<i32>} : memref<512x64xf32, #tpu.memory_space<vmem>>, vector<1x16xf32>,
            %mul3A_233 = arith.constant 16 : i32
            %mul3A_234 = arith.muli %scan3A_110, %mul3A_233 : i32
            %add3A_235 = arith.constant 7 : i32
            %add3A_236 = arith.addi %mul3A_234, %add3A_235 : i32
            %swap3A_237 = arith.index_cast %add3A_236 : i32 to index
            %swap3A_238 = arith.constant 16 : index
            %swap3A_239 = tpu.vector_load %arg8[%swap3A_237, %swap3A_238] {strides = array<i32>} : memref<512x64xf32, #tpu.memory_space<vmem>>, vector<1x16xf32>,
            %swap3A_240 = vector.shape_cast %swap3A_239 : vector<1x16xf32> to vector<16xf32>
            %swap3A_241 = vector.shape_cast %broadcast_in_dim3A_224 : vector<16xf32> to vector<1x16xf32>
            tpu.vector_store %arg8[%swap3A_237, %swap3A_238], %swap3A_241 {strides = array<i32>} : memref<512x64xf32, #tpu.memory_space<vmem>>, vector<1x16xf32>,
            %mul3A_242 = arith.constant 16 : i32
            %mul3A_243 = arith.muli %scan3A_110, %mul3A_242 : i32
            %add3A_244 = arith.constant 7 : i32
            %add3A_245 = arith.addi %mul3A_243, %add3A_244 : i32
            %swap3A_246 = arith.index_cast %add3A_245 : i32 to index
            %swap3A_247 = arith.constant 32 : index
            %swap3A_248 = tpu.vector_load %arg8[%swap3A_246, %swap3A_247] {strides = array<i32>} : memref<512x64xf32, #tpu.memory_space<vmem>>, vector<1x16xf32>,
            %swap3A_249 = vector.shape_cast %swap3A_248 : vector<1x16xf32> to vector<16xf32>
            %swap3A_250 = vector.shape_cast %broadcast_in_dim3A_224 : vector<16xf32> to vector<1x16xf32>
            tpu.vector_store %arg8[%swap3A_246, %swap3A_247], %swap3A_250 {strides = array<i32>} : memref<512x64xf32, #tpu.memory_space<vmem>>, vector<1x16xf32>,
            %mul3A_251 = arith.constant 16 : i32
            %mul3A_252 = arith.muli %scan3A_110, %mul3A_251 : i32
            %add3A_253 = arith.constant 7 : i32
            %add3A_254 = arith.addi %mul3A_252, %add3A_253 : i32
            %swap3A_255 = arith.index_cast %add3A_254 : i32 to index
            %swap3A_256 = arith.constant 48 : index
            %swap3A_257 = tpu.vector_load %arg8[%swap3A_255, %swap3A_256] {strides = array<i32>} : memref<512x64xf32, #tpu.memory_space<vmem>>, vector<1x16xf32>,
            %swap3A_258 = vector.shape_cast %swap3A_257 : vector<1x16xf32> to vector<16xf32>
            %swap3A_259 = vector.shape_cast %broadcast_in_dim3A_224 : vector<16xf32> to vector<1x16xf32>
            tpu.vector_store %arg8[%swap3A_255, %swap3A_256], %swap3A_259 {strides = array<i32>} : memref<512x64xf32, #tpu.memory_space<vmem>>, vector<1x16xf32>,
          } else {
          }
          %slice3A_168 = vector.extract_strided_slice %get3A_114 {offsets = [8], sizes = [1], strides = [1]} : vector<16xi32> to vector<1xi32>
          %squeeze3A_169 = vector.extract %slice3A_168[0] : i32 from vector<1xi32>
          %eq3A_170 = arith.constant 0 : i32
          %eq3A_171 = arith.cmpi eq, %squeeze3A_169, %eq3A_170 : i32
          %convert_element_type3A_172 = arith.extui %eq3A_171 : i1 to i32
          %cond3A_173 = arith.constant 0 : i32
          %cond3A_174 = arith.cmpi ne, %convert_element_type3A_172, %cond3A_173 : i32
          scf.if %cond3A_174 {
            %broadcast_in_dim3A = arith.constant 0.000000e+00 : f32
            %broadcast_in_dim3A_224 = vector.broadcast %broadcast_in_dim3A : f32 to vector<16xf32>
            %mul3A_225 = arith.constant 16 : i32
            %mul3A_226 = arith.muli %scan3A_110, %mul3A_225 : i32
            %add3A_227 = arith.constant 8 : i32
            %add3A_228 = arith.addi %mul3A_226, %add3A_227 : i32
            %swap3A = arith.index_cast %add3A_228 : i32 to index
            %swap3A_229 = arith.constant 0 : index
            %swap3A_230 = tpu.vector_load %arg8[%swap3A, %swap3A_229] {strides = array<i32>} : memref<512x64xf32, #tpu.memory_space<vmem>>, vector<1x16xf32>,
            %swap3A_231 = vector.shape_cast %swap3A_230 : vector<1x16xf32> to vector<16xf32>
            %swap3A_232 = vector.shape_cast %broadcast_in_dim3A_224 : vector<16xf32> to vector<1x16xf32>
            tpu.vector_store %arg8[%swap3A, %swap3A_229], %swap3A_232 {strides = array<i32>} : memref<512x64xf32, #tpu.memory_space<vmem>>, vector<1x16xf32>,
            %mul3A_233 = arith.constant 16 : i32
            %mul3A_234 = arith.muli %scan3A_110, %mul3A_233 : i32
            %add3A_235 = arith.constant 8 : i32
            %add3A_236 = arith.addi %mul3A_234, %add3A_235 : i32
            %swap3A_237 = arith.index_cast %add3A_236 : i32 to index
            %swap3A_238 = arith.constant 16 : index
            %swap3A_239 = tpu.vector_load %arg8[%swap3A_237, %swap3A_238] {strides = array<i32>} : memref<512x64xf32, #tpu.memory_space<vmem>>, vector<1x16xf32>,
            %swap3A_240 = vector.shape_cast %swap3A_239 : vector<1x16xf32> to vector<16xf32>
            %swap3A_241 = vector.shape_cast %broadcast_in_dim3A_224 : vector<16xf32> to vector<1x16xf32>
            tpu.vector_store %arg8[%swap3A_237, %swap3A_238], %swap3A_241 {strides = array<i32>} : memref<512x64xf32, #tpu.memory_space<vmem>>, vector<1x16xf32>,
            %mul3A_242 = arith.constant 16 : i32
            %mul3A_243 = arith.muli %scan3A_110, %mul3A_242 : i32
            %add3A_244 = arith.constant 8 : i32
            %add3A_245 = arith.addi %mul3A_243, %add3A_244 : i32
            %swap3A_246 = arith.index_cast %add3A_245 : i32 to index
            %swap3A_247 = arith.constant 32 : index
            %swap3A_248 = tpu.vector_load %arg8[%swap3A_246, %swap3A_247] {strides = array<i32>} : memref<512x64xf32, #tpu.memory_space<vmem>>, vector<1x16xf32>,
            %swap3A_249 = vector.shape_cast %swap3A_248 : vector<1x16xf32> to vector<16xf32>
            %swap3A_250 = vector.shape_cast %broadcast_in_dim3A_224 : vector<16xf32> to vector<1x16xf32>
            tpu.vector_store %arg8[%swap3A_246, %swap3A_247], %swap3A_250 {strides = array<i32>} : memref<512x64xf32, #tpu.memory_space<vmem>>, vector<1x16xf32>,
            %mul3A_251 = arith.constant 16 : i32
            %mul3A_252 = arith.muli %scan3A_110, %mul3A_251 : i32
            %add3A_253 = arith.constant 8 : i32
            %add3A_254 = arith.addi %mul3A_252, %add3A_253 : i32
            %swap3A_255 = arith.index_cast %add3A_254 : i32 to index
            %swap3A_256 = arith.constant 48 : index
            %swap3A_257 = tpu.vector_load %arg8[%swap3A_255, %swap3A_256] {strides = array<i32>} : memref<512x64xf32, #tpu.memory_space<vmem>>, vector<1x16xf32>,
            %swap3A_258 = vector.shape_cast %swap3A_257 : vector<1x16xf32> to vector<16xf32>
            %swap3A_259 = vector.shape_cast %broadcast_in_dim3A_224 : vector<16xf32> to vector<1x16xf32>
            tpu.vector_store %arg8[%swap3A_255, %swap3A_256], %swap3A_259 {strides = array<i32>} : memref<512x64xf32, #tpu.memory_space<vmem>>, vector<1x16xf32>,
          } else {
          }
          %slice3A_175 = vector.extract_strided_slice %get3A_114 {offsets = [9], sizes = [1], strides = [1]} : vector<16xi32> to vector<1xi32>
          %squeeze3A_176 = vector.extract %slice3A_175[0] : i32 from vector<1xi32>
          %eq3A_177 = arith.constant 0 : i32
          %eq3A_178 = arith.cmpi eq, %squeeze3A_176, %eq3A_177 : i32
          %convert_element_type3A_179 = arith.extui %eq3A_178 : i1 to i32
          %cond3A_180 = arith.constant 0 : i32
          %cond3A_181 = arith.cmpi ne, %convert_element_type3A_179, %cond3A_180 : i32
          scf.if %cond3A_181 {
            %broadcast_in_dim3A = arith.constant 0.000000e+00 : f32
            %broadcast_in_dim3A_224 = vector.broadcast %broadcast_in_dim3A : f32 to vector<16xf32>
            %mul3A_225 = arith.constant 16 : i32
            %mul3A_226 = arith.muli %scan3A_110, %mul3A_225 : i32
            %add3A_227 = arith.constant 9 : i32
            %add3A_228 = arith.addi %mul3A_226, %add3A_227 : i32
            %swap3A = arith.index_cast %add3A_228 : i32 to index
            %swap3A_229 = arith.constant 0 : index
            %swap3A_230 = tpu.vector_load %arg8[%swap3A, %swap3A_229] {strides = array<i32>} : memref<512x64xf32, #tpu.memory_space<vmem>>, vector<1x16xf32>,
            %swap3A_231 = vector.shape_cast %swap3A_230 : vector<1x16xf32> to vector<16xf32>
            %swap3A_232 = vector.shape_cast %broadcast_in_dim3A_224 : vector<16xf32> to vector<1x16xf32>
            tpu.vector_store %arg8[%swap3A, %swap3A_229], %swap3A_232 {strides = array<i32>} : memref<512x64xf32, #tpu.memory_space<vmem>>, vector<1x16xf32>,
            %mul3A_233 = arith.constant 16 : i32
            %mul3A_234 = arith.muli %scan3A_110, %mul3A_233 : i32
            %add3A_235 = arith.constant 9 : i32
            %add3A_236 = arith.addi %mul3A_234, %add3A_235 : i32
            %swap3A_237 = arith.index_cast %add3A_236 : i32 to index
            %swap3A_238 = arith.constant 16 : index
            %swap3A_239 = tpu.vector_load %arg8[%swap3A_237, %swap3A_238] {strides = array<i32>} : memref<512x64xf32, #tpu.memory_space<vmem>>, vector<1x16xf32>,
            %swap3A_240 = vector.shape_cast %swap3A_239 : vector<1x16xf32> to vector<16xf32>
            %swap3A_241 = vector.shape_cast %broadcast_in_dim3A_224 : vector<16xf32> to vector<1x16xf32>
            tpu.vector_store %arg8[%swap3A_237, %swap3A_238], %swap3A_241 {strides = array<i32>} : memref<512x64xf32, #tpu.memory_space<vmem>>, vector<1x16xf32>,
            %mul3A_242 = arith.constant 16 : i32
            %mul3A_243 = arith.muli %scan3A_110, %mul3A_242 : i32
            %add3A_244 = arith.constant 9 : i32
            %add3A_245 = arith.addi %mul3A_243, %add3A_244 : i32
            %swap3A_246 = arith.index_cast %add3A_245 : i32 to index
            %swap3A_247 = arith.constant 32 : index
            %swap3A_248 = tpu.vector_load %arg8[%swap3A_246, %swap3A_247] {strides = array<i32>} : memref<512x64xf32, #tpu.memory_space<vmem>>, vector<1x16xf32>,
            %swap3A_249 = vector.shape_cast %swap3A_248 : vector<1x16xf32> to vector<16xf32>
            %swap3A_250 = vector.shape_cast %broadcast_in_dim3A_224 : vector<16xf32> to vector<1x16xf32>
            tpu.vector_store %arg8[%swap3A_246, %swap3A_247], %swap3A_250 {strides = array<i32>} : memref<512x64xf32, #tpu.memory_space<vmem>>, vector<1x16xf32>,
            %mul3A_251 = arith.constant 16 : i32
            %mul3A_252 = arith.muli %scan3A_110, %mul3A_251 : i32
            %add3A_253 = arith.constant 9 : i32
            %add3A_254 = arith.addi %mul3A_252, %add3A_253 : i32
            %swap3A_255 = arith.index_cast %add3A_254 : i32 to index
            %swap3A_256 = arith.constant 48 : index
            %swap3A_257 = tpu.vector_load %arg8[%swap3A_255, %swap3A_256] {strides = array<i32>} : memref<512x64xf32, #tpu.memory_space<vmem>>, vector<1x16xf32>,
            %swap3A_258 = vector.shape_cast %swap3A_257 : vector<1x16xf32> to vector<16xf32>
            %swap3A_259 = vector.shape_cast %broadcast_in_dim3A_224 : vector<16xf32> to vector<1x16xf32>
            tpu.vector_store %arg8[%swap3A_255, %swap3A_256], %swap3A_259 {strides = array<i32>} : memref<512x64xf32, #tpu.memory_space<vmem>>, vector<1x16xf32>,
          } else {
          }
          %slice3A_182 = vector.extract_strided_slice %get3A_114 {offsets = [10], sizes = [1], strides = [1]} : vector<16xi32> to vector<1xi32>
          %squeeze3A_183 = vector.extract %slice3A_182[0] : i32 from vector<1xi32>
          %eq3A_184 = arith.constant 0 : i32
          %eq3A_185 = arith.cmpi eq, %squeeze3A_183, %eq3A_184 : i32
          %convert_element_type3A_186 = arith.extui %eq3A_185 : i1 to i32
          %cond3A_187 = arith.constant 0 : i32
          %cond3A_188 = arith.cmpi ne, %convert_element_type3A_186, %cond3A_187 : i32
          scf.if %cond3A_188 {
            %broadcast_in_dim3A = arith.constant 0.000000e+00 : f32
            %broadcast_in_dim3A_224 = vector.broadcast %broadcast_in_dim3A : f32 to vector<16xf32>
            %mul3A_225 = arith.constant 16 : i32
            %mul3A_226 = arith.muli %scan3A_110, %mul3A_225 : i32
            %add3A_227 = arith.constant 10 : i32
            %add3A_228 = arith.addi %mul3A_226, %add3A_227 : i32
            %swap3A = arith.index_cast %add3A_228 : i32 to index
            %swap3A_229 = arith.constant 0 : index
            %swap3A_230 = tpu.vector_load %arg8[%swap3A, %swap3A_229] {strides = array<i32>} : memref<512x64xf32, #tpu.memory_space<vmem>>, vector<1x16xf32>,
            %swap3A_231 = vector.shape_cast %swap3A_230 : vector<1x16xf32> to vector<16xf32>
            %swap3A_232 = vector.shape_cast %broadcast_in_dim3A_224 : vector<16xf32> to vector<1x16xf32>
            tpu.vector_store %arg8[%swap3A, %swap3A_229], %swap3A_232 {strides = array<i32>} : memref<512x64xf32, #tpu.memory_space<vmem>>, vector<1x16xf32>,
            %mul3A_233 = arith.constant 16 : i32
            %mul3A_234 = arith.muli %scan3A_110, %mul3A_233 : i32
            %add3A_235 = arith.constant 10 : i32
            %add3A_236 = arith.addi %mul3A_234, %add3A_235 : i32
            %swap3A_237 = arith.index_cast %add3A_236 : i32 to index
            %swap3A_238 = arith.constant 16 : index
            %swap3A_239 = tpu.vector_load %arg8[%swap3A_237, %swap3A_238] {strides = array<i32>} : memref<512x64xf32, #tpu.memory_space<vmem>>, vector<1x16xf32>,
            %swap3A_240 = vector.shape_cast %swap3A_239 : vector<1x16xf32> to vector<16xf32>
            %swap3A_241 = vector.shape_cast %broadcast_in_dim3A_224 : vector<16xf32> to vector<1x16xf32>
            tpu.vector_store %arg8[%swap3A_237, %swap3A_238], %swap3A_241 {strides = array<i32>} : memref<512x64xf32, #tpu.memory_space<vmem>>, vector<1x16xf32>,
            %mul3A_242 = arith.constant 16 : i32
            %mul3A_243 = arith.muli %scan3A_110, %mul3A_242 : i32
            %add3A_244 = arith.constant 10 : i32
            %add3A_245 = arith.addi %mul3A_243, %add3A_244 : i32
            %swap3A_246 = arith.index_cast %add3A_245 : i32 to index
            %swap3A_247 = arith.constant 32 : index
            %swap3A_248 = tpu.vector_load %arg8[%swap3A_246, %swap3A_247] {strides = array<i32>} : memref<512x64xf32, #tpu.memory_space<vmem>>, vector<1x16xf32>,
            %swap3A_249 = vector.shape_cast %swap3A_248 : vector<1x16xf32> to vector<16xf32>
            %swap3A_250 = vector.shape_cast %broadcast_in_dim3A_224 : vector<16xf32> to vector<1x16xf32>
            tpu.vector_store %arg8[%swap3A_246, %swap3A_247], %swap3A_250 {strides = array<i32>} : memref<512x64xf32, #tpu.memory_space<vmem>>, vector<1x16xf32>,
            %mul3A_251 = arith.constant 16 : i32
            %mul3A_252 = arith.muli %scan3A_110, %mul3A_251 : i32
            %add3A_253 = arith.constant 10 : i32
            %add3A_254 = arith.addi %mul3A_252, %add3A_253 : i32
            %swap3A_255 = arith.index_cast %add3A_254 : i32 to index
            %swap3A_256 = arith.constant 48 : index
            %swap3A_257 = tpu.vector_load %arg8[%swap3A_255, %swap3A_256] {strides = array<i32>} : memref<512x64xf32, #tpu.memory_space<vmem>>, vector<1x16xf32>,
            %swap3A_258 = vector.shape_cast %swap3A_257 : vector<1x16xf32> to vector<16xf32>
            %swap3A_259 = vector.shape_cast %broadcast_in_dim3A_224 : vector<16xf32> to vector<1x16xf32>
            tpu.vector_store %arg8[%swap3A_255, %swap3A_256], %swap3A_259 {strides = array<i32>} : memref<512x64xf32, #tpu.memory_space<vmem>>, vector<1x16xf32>,
          } else {
          }
          %slice3A_189 = vector.extract_strided_slice %get3A_114 {offsets = [11], sizes = [1], strides = [1]} : vector<16xi32> to vector<1xi32>
          %squeeze3A_190 = vector.extract %slice3A_189[0] : i32 from vector<1xi32>
          %eq3A_191 = arith.constant 0 : i32
          %eq3A_192 = arith.cmpi eq, %squeeze3A_190, %eq3A_191 : i32
          %convert_element_type3A_193 = arith.extui %eq3A_192 : i1 to i32
          %cond3A_194 = arith.constant 0 : i32
          %cond3A_195 = arith.cmpi ne, %convert_element_type3A_193, %cond3A_194 : i32
          scf.if %cond3A_195 {
            %broadcast_in_dim3A = arith.constant 0.000000e+00 : f32
            %broadcast_in_dim3A_224 = vector.broadcast %broadcast_in_dim3A : f32 to vector<16xf32>
            %mul3A_225 = arith.constant 16 : i32
            %mul3A_226 = arith.muli %scan3A_110, %mul3A_225 : i32
            %add3A_227 = arith.constant 11 : i32
            %add3A_228 = arith.addi %mul3A_226, %add3A_227 : i32
            %swap3A = arith.index_cast %add3A_228 : i32 to index
            %swap3A_229 = arith.constant 0 : index
            %swap3A_230 = tpu.vector_load %arg8[%swap3A, %swap3A_229] {strides = array<i32>} : memref<512x64xf32, #tpu.memory_space<vmem>>, vector<1x16xf32>,
            %swap3A_231 = vector.shape_cast %swap3A_230 : vector<1x16xf32> to vector<16xf32>
            %swap3A_232 = vector.shape_cast %broadcast_in_dim3A_224 : vector<16xf32> to vector<1x16xf32>
            tpu.vector_store %arg8[%swap3A, %swap3A_229], %swap3A_232 {strides = array<i32>} : memref<512x64xf32, #tpu.memory_space<vmem>>, vector<1x16xf32>,
            %mul3A_233 = arith.constant 16 : i32
            %mul3A_234 = arith.muli %scan3A_110, %mul3A_233 : i32
            %add3A_235 = arith.constant 11 : i32
            %add3A_236 = arith.addi %mul3A_234, %add3A_235 : i32
            %swap3A_237 = arith.index_cast %add3A_236 : i32 to index
            %swap3A_238 = arith.constant 16 : index
            %swap3A_239 = tpu.vector_load %arg8[%swap3A_237, %swap3A_238] {strides = array<i32>} : memref<512x64xf32, #tpu.memory_space<vmem>>, vector<1x16xf32>,
            %swap3A_240 = vector.shape_cast %swap3A_239 : vector<1x16xf32> to vector<16xf32>
            %swap3A_241 = vector.shape_cast %broadcast_in_dim3A_224 : vector<16xf32> to vector<1x16xf32>
            tpu.vector_store %arg8[%swap3A_237, %swap3A_238], %swap3A_241 {strides = array<i32>} : memref<512x64xf32, #tpu.memory_space<vmem>>, vector<1x16xf32>,
            %mul3A_242 = arith.constant 16 : i32
            %mul3A_243 = arith.muli %scan3A_110, %mul3A_242 : i32
            %add3A_244 = arith.constant 11 : i32
            %add3A_245 = arith.addi %mul3A_243, %add3A_244 : i32
            %swap3A_246 = arith.index_cast %add3A_245 : i32 to index
            %swap3A_247 = arith.constant 32 : index
            %swap3A_248 = tpu.vector_load %arg8[%swap3A_246, %swap3A_247] {strides = array<i32>} : memref<512x64xf32, #tpu.memory_space<vmem>>, vector<1x16xf32>,
            %swap3A_249 = vector.shape_cast %swap3A_248 : vector<1x16xf32> to vector<16xf32>
            %swap3A_250 = vector.shape_cast %broadcast_in_dim3A_224 : vector<16xf32> to vector<1x16xf32>
            tpu.vector_store %arg8[%swap3A_246, %swap3A_247], %swap3A_250 {strides = array<i32>} : memref<512x64xf32, #tpu.memory_space<vmem>>, vector<1x16xf32>,
            %mul3A_251 = arith.constant 16 : i32
            %mul3A_252 = arith.muli %scan3A_110, %mul3A_251 : i32
            %add3A_253 = arith.constant 11 : i32
            %add3A_254 = arith.addi %mul3A_252, %add3A_253 : i32
            %swap3A_255 = arith.index_cast %add3A_254 : i32 to index
            %swap3A_256 = arith.constant 48 : index
            %swap3A_257 = tpu.vector_load %arg8[%swap3A_255, %swap3A_256] {strides = array<i32>} : memref<512x64xf32, #tpu.memory_space<vmem>>, vector<1x16xf32>,
            %swap3A_258 = vector.shape_cast %swap3A_257 : vector<1x16xf32> to vector<16xf32>
            %swap3A_259 = vector.shape_cast %broadcast_in_dim3A_224 : vector<16xf32> to vector<1x16xf32>
            tpu.vector_store %arg8[%swap3A_255, %swap3A_256], %swap3A_259 {strides = array<i32>} : memref<512x64xf32, #tpu.memory_space<vmem>>, vector<1x16xf32>,
          } else {
          }
          %slice3A_196 = vector.extract_strided_slice %get3A_114 {offsets = [12], sizes = [1], strides = [1]} : vector<16xi32> to vector<1xi32>
          %squeeze3A_197 = vector.extract %slice3A_196[0] : i32 from vector<1xi32>
          %eq3A_198 = arith.constant 0 : i32
          %eq3A_199 = arith.cmpi eq, %squeeze3A_197, %eq3A_198 : i32
          %convert_element_type3A_200 = arith.extui %eq3A_199 : i1 to i32
          %cond3A_201 = arith.constant 0 : i32
          %cond3A_202 = arith.cmpi ne, %convert_element_type3A_200, %cond3A_201 : i32
          scf.if %cond3A_202 {
            %broadcast_in_dim3A = arith.constant 0.000000e+00 : f32
            %broadcast_in_dim3A_224 = vector.broadcast %broadcast_in_dim3A : f32 to vector<16xf32>
            %mul3A_225 = arith.constant 16 : i32
            %mul3A_226 = arith.muli %scan3A_110, %mul3A_225 : i32
            %add3A_227 = arith.constant 12 : i32
            %add3A_228 = arith.addi %mul3A_226, %add3A_227 : i32
            %swap3A = arith.index_cast %add3A_228 : i32 to index
            %swap3A_229 = arith.constant 0 : index
            %swap3A_230 = tpu.vector_load %arg8[%swap3A, %swap3A_229] {strides = array<i32>} : memref<512x64xf32, #tpu.memory_space<vmem>>, vector<1x16xf32>,
            %swap3A_231 = vector.shape_cast %swap3A_230 : vector<1x16xf32> to vector<16xf32>
            %swap3A_232 = vector.shape_cast %broadcast_in_dim3A_224 : vector<16xf32> to vector<1x16xf32>
            tpu.vector_store %arg8[%swap3A, %swap3A_229], %swap3A_232 {strides = array<i32>} : memref<512x64xf32, #tpu.memory_space<vmem>>, vector<1x16xf32>,
            %mul3A_233 = arith.constant 16 : i32
            %mul3A_234 = arith.muli %scan3A_110, %mul3A_233 : i32
            %add3A_235 = arith.constant 12 : i32
            %add3A_236 = arith.addi %mul3A_234, %add3A_235 : i32
            %swap3A_237 = arith.index_cast %add3A_236 : i32 to index
            %swap3A_238 = arith.constant 16 : index
            %swap3A_239 = tpu.vector_load %arg8[%swap3A_237, %swap3A_238] {strides = array<i32>} : memref<512x64xf32, #tpu.memory_space<vmem>>, vector<1x16xf32>,
            %swap3A_240 = vector.shape_cast %swap3A_239 : vector<1x16xf32> to vector<16xf32>
            %swap3A_241 = vector.shape_cast %broadcast_in_dim3A_224 : vector<16xf32> to vector<1x16xf32>
            tpu.vector_store %arg8[%swap3A_237, %swap3A_238], %swap3A_241 {strides = array<i32>} : memref<512x64xf32, #tpu.memory_space<vmem>>, vector<1x16xf32>,
            %mul3A_242 = arith.constant 16 : i32
            %mul3A_243 = arith.muli %scan3A_110, %mul3A_242 : i32
            %add3A_244 = arith.constant 12 : i32
            %add3A_245 = arith.addi %mul3A_243, %add3A_244 : i32
            %swap3A_246 = arith.index_cast %add3A_245 : i32 to index
            %swap3A_247 = arith.constant 32 : index
            %swap3A_248 = tpu.vector_load %arg8[%swap3A_246, %swap3A_247] {strides = array<i32>} : memref<512x64xf32, #tpu.memory_space<vmem>>, vector<1x16xf32>,
            %swap3A_249 = vector.shape_cast %swap3A_248 : vector<1x16xf32> to vector<16xf32>
            %swap3A_250 = vector.shape_cast %broadcast_in_dim3A_224 : vector<16xf32> to vector<1x16xf32>
            tpu.vector_store %arg8[%swap3A_246, %swap3A_247], %swap3A_250 {strides = array<i32>} : memref<512x64xf32, #tpu.memory_space<vmem>>, vector<1x16xf32>,
            %mul3A_251 = arith.constant 16 : i32
            %mul3A_252 = arith.muli %scan3A_110, %mul3A_251 : i32
            %add3A_253 = arith.constant 12 : i32
            %add3A_254 = arith.addi %mul3A_252, %add3A_253 : i32
            %swap3A_255 = arith.index_cast %add3A_254 : i32 to index
            %swap3A_256 = arith.constant 48 : index
            %swap3A_257 = tpu.vector_load %arg8[%swap3A_255, %swap3A_256] {strides = array<i32>} : memref<512x64xf32, #tpu.memory_space<vmem>>, vector<1x16xf32>,
            %swap3A_258 = vector.shape_cast %swap3A_257 : vector<1x16xf32> to vector<16xf32>
            %swap3A_259 = vector.shape_cast %broadcast_in_dim3A_224 : vector<16xf32> to vector<1x16xf32>
            tpu.vector_store %arg8[%swap3A_255, %swap3A_256], %swap3A_259 {strides = array<i32>} : memref<512x64xf32, #tpu.memory_space<vmem>>, vector<1x16xf32>,
          } else {
          }
          %slice3A_203 = vector.extract_strided_slice %get3A_114 {offsets = [13], sizes = [1], strides = [1]} : vector<16xi32> to vector<1xi32>
          %squeeze3A_204 = vector.extract %slice3A_203[0] : i32 from vector<1xi32>
          %eq3A_205 = arith.constant 0 : i32
          %eq3A_206 = arith.cmpi eq, %squeeze3A_204, %eq3A_205 : i32
          %convert_element_type3A_207 = arith.extui %eq3A_206 : i1 to i32
          %cond3A_208 = arith.constant 0 : i32
          %cond3A_209 = arith.cmpi ne, %convert_element_type3A_207, %cond3A_208 : i32
          scf.if %cond3A_209 {
            %broadcast_in_dim3A = arith.constant 0.000000e+00 : f32
            %broadcast_in_dim3A_224 = vector.broadcast %broadcast_in_dim3A : f32 to vector<16xf32>
            %mul3A_225 = arith.constant 16 : i32
            %mul3A_226 = arith.muli %scan3A_110, %mul3A_225 : i32
            %add3A_227 = arith.constant 13 : i32
            %add3A_228 = arith.addi %mul3A_226, %add3A_227 : i32
            %swap3A = arith.index_cast %add3A_228 : i32 to index
            %swap3A_229 = arith.constant 0 : index
            %swap3A_230 = tpu.vector_load %arg8[%swap3A, %swap3A_229] {strides = array<i32>} : memref<512x64xf32, #tpu.memory_space<vmem>>, vector<1x16xf32>,
            %swap3A_231 = vector.shape_cast %swap3A_230 : vector<1x16xf32> to vector<16xf32>
            %swap3A_232 = vector.shape_cast %broadcast_in_dim3A_224 : vector<16xf32> to vector<1x16xf32>
            tpu.vector_store %arg8[%swap3A, %swap3A_229], %swap3A_232 {strides = array<i32>} : memref<512x64xf32, #tpu.memory_space<vmem>>, vector<1x16xf32>,
            %mul3A_233 = arith.constant 16 : i32
            %mul3A_234 = arith.muli %scan3A_110, %mul3A_233 : i32
            %add3A_235 = arith.constant 13 : i32
            %add3A_236 = arith.addi %mul3A_234, %add3A_235 : i32
            %swap3A_237 = arith.index_cast %add3A_236 : i32 to index
            %swap3A_238 = arith.constant 16 : index
            %swap3A_239 = tpu.vector_load %arg8[%swap3A_237, %swap3A_238] {strides = array<i32>} : memref<512x64xf32, #tpu.memory_space<vmem>>, vector<1x16xf32>,
            %swap3A_240 = vector.shape_cast %swap3A_239 : vector<1x16xf32> to vector<16xf32>
            %swap3A_241 = vector.shape_cast %broadcast_in_dim3A_224 : vector<16xf32> to vector<1x16xf32>
            tpu.vector_store %arg8[%swap3A_237, %swap3A_238], %swap3A_241 {strides = array<i32>} : memref<512x64xf32, #tpu.memory_space<vmem>>, vector<1x16xf32>,
            %mul3A_242 = arith.constant 16 : i32
            %mul3A_243 = arith.muli %scan3A_110, %mul3A_242 : i32
            %add3A_244 = arith.constant 13 : i32
            %add3A_245 = arith.addi %mul3A_243, %add3A_244 : i32
            %swap3A_246 = arith.index_cast %add3A_245 : i32 to index
            %swap3A_247 = arith.constant 32 : index
            %swap3A_248 = tpu.vector_load %arg8[%swap3A_246, %swap3A_247] {strides = array<i32>} : memref<512x64xf32, #tpu.memory_space<vmem>>, vector<1x16xf32>,
            %swap3A_249 = vector.shape_cast %swap3A_248 : vector<1x16xf32> to vector<16xf32>
            %swap3A_250 = vector.shape_cast %broadcast_in_dim3A_224 : vector<16xf32> to vector<1x16xf32>
            tpu.vector_store %arg8[%swap3A_246, %swap3A_247], %swap3A_250 {strides = array<i32>} : memref<512x64xf32, #tpu.memory_space<vmem>>, vector<1x16xf32>,
            %mul3A_251 = arith.constant 16 : i32
            %mul3A_252 = arith.muli %scan3A_110, %mul3A_251 : i32
            %add3A_253 = arith.constant 13 : i32
            %add3A_254 = arith.addi %mul3A_252, %add3A_253 : i32
            %swap3A_255 = arith.index_cast %add3A_254 : i32 to index
            %swap3A_256 = arith.constant 48 : index
            %swap3A_257 = tpu.vector_load %arg8[%swap3A_255, %swap3A_256] {strides = array<i32>} : memref<512x64xf32, #tpu.memory_space<vmem>>, vector<1x16xf32>,
            %swap3A_258 = vector.shape_cast %swap3A_257 : vector<1x16xf32> to vector<16xf32>
            %swap3A_259 = vector.shape_cast %broadcast_in_dim3A_224 : vector<16xf32> to vector<1x16xf32>
            tpu.vector_store %arg8[%swap3A_255, %swap3A_256], %swap3A_259 {strides = array<i32>} : memref<512x64xf32, #tpu.memory_space<vmem>>, vector<1x16xf32>,
          } else {
          }
          %slice3A_210 = vector.extract_strided_slice %get3A_114 {offsets = [14], sizes = [1], strides = [1]} : vector<16xi32> to vector<1xi32>
          %squeeze3A_211 = vector.extract %slice3A_210[0] : i32 from vector<1xi32>
          %eq3A_212 = arith.constant 0 : i32
          %eq3A_213 = arith.cmpi eq, %squeeze3A_211, %eq3A_212 : i32
          %convert_element_type3A_214 = arith.extui %eq3A_213 : i1 to i32
          %cond3A_215 = arith.constant 0 : i32
          %cond3A_216 = arith.cmpi ne, %convert_element_type3A_214, %cond3A_215 : i32
          scf.if %cond3A_216 {
            %broadcast_in_dim3A = arith.constant 0.000000e+00 : f32
            %broadcast_in_dim3A_224 = vector.broadcast %broadcast_in_dim3A : f32 to vector<16xf32>
            %mul3A_225 = arith.constant 16 : i32
            %mul3A_226 = arith.muli %scan3A_110, %mul3A_225 : i32
            %add3A_227 = arith.constant 14 : i32
            %add3A_228 = arith.addi %mul3A_226, %add3A_227 : i32
            %swap3A = arith.index_cast %add3A_228 : i32 to index
            %swap3A_229 = arith.constant 0 : index
            %swap3A_230 = tpu.vector_load %arg8[%swap3A, %swap3A_229] {strides = array<i32>} : memref<512x64xf32, #tpu.memory_space<vmem>>, vector<1x16xf32>,
            %swap3A_231 = vector.shape_cast %swap3A_230 : vector<1x16xf32> to vector<16xf32>
            %swap3A_232 = vector.shape_cast %broadcast_in_dim3A_224 : vector<16xf32> to vector<1x16xf32>
            tpu.vector_store %arg8[%swap3A, %swap3A_229], %swap3A_232 {strides = array<i32>} : memref<512x64xf32, #tpu.memory_space<vmem>>, vector<1x16xf32>,
            %mul3A_233 = arith.constant 16 : i32
            %mul3A_234 = arith.muli %scan3A_110, %mul3A_233 : i32
            %add3A_235 = arith.constant 14 : i32
            %add3A_236 = arith.addi %mul3A_234, %add3A_235 : i32
            %swap3A_237 = arith.index_cast %add3A_236 : i32 to index
            %swap3A_238 = arith.constant 16 : index
            %swap3A_239 = tpu.vector_load %arg8[%swap3A_237, %swap3A_238] {strides = array<i32>} : memref<512x64xf32, #tpu.memory_space<vmem>>, vector<1x16xf32>,
            %swap3A_240 = vector.shape_cast %swap3A_239 : vector<1x16xf32> to vector<16xf32>
            %swap3A_241 = vector.shape_cast %broadcast_in_dim3A_224 : vector<16xf32> to vector<1x16xf32>
            tpu.vector_store %arg8[%swap3A_237, %swap3A_238], %swap3A_241 {strides = array<i32>} : memref<512x64xf32, #tpu.memory_space<vmem>>, vector<1x16xf32>,
            %mul3A_242 = arith.constant 16 : i32
            %mul3A_243 = arith.muli %scan3A_110, %mul3A_242 : i32
            %add3A_244 = arith.constant 14 : i32
            %add3A_245 = arith.addi %mul3A_243, %add3A_244 : i32
            %swap3A_246 = arith.index_cast %add3A_245 : i32 to index
            %swap3A_247 = arith.constant 32 : index
            %swap3A_248 = tpu.vector_load %arg8[%swap3A_246, %swap3A_247] {strides = array<i32>} : memref<512x64xf32, #tpu.memory_space<vmem>>, vector<1x16xf32>,
            %swap3A_249 = vector.shape_cast %swap3A_248 : vector<1x16xf32> to vector<16xf32>
            %swap3A_250 = vector.shape_cast %broadcast_in_dim3A_224 : vector<16xf32> to vector<1x16xf32>
            tpu.vector_store %arg8[%swap3A_246, %swap3A_247], %swap3A_250 {strides = array<i32>} : memref<512x64xf32, #tpu.memory_space<vmem>>, vector<1x16xf32>,
            %mul3A_251 = arith.constant 16 : i32
            %mul3A_252 = arith.muli %scan3A_110, %mul3A_251 : i32
            %add3A_253 = arith.constant 14 : i32
            %add3A_254 = arith.addi %mul3A_252, %add3A_253 : i32
            %swap3A_255 = arith.index_cast %add3A_254 : i32 to index
            %swap3A_256 = arith.constant 48 : index
            %swap3A_257 = tpu.vector_load %arg8[%swap3A_255, %swap3A_256] {strides = array<i32>} : memref<512x64xf32, #tpu.memory_space<vmem>>, vector<1x16xf32>,
            %swap3A_258 = vector.shape_cast %swap3A_257 : vector<1x16xf32> to vector<16xf32>
            %swap3A_259 = vector.shape_cast %broadcast_in_dim3A_224 : vector<16xf32> to vector<1x16xf32>
            tpu.vector_store %arg8[%swap3A_255, %swap3A_256], %swap3A_259 {strides = array<i32>} : memref<512x64xf32, #tpu.memory_space<vmem>>, vector<1x16xf32>,
          } else {
          }
          %slice3A_217 = vector.extract_strided_slice %get3A_114 {offsets = [15], sizes = [1], strides = [1]} : vector<16xi32> to vector<1xi32>
          %squeeze3A_218 = vector.extract %slice3A_217[0] : i32 from vector<1xi32>
          %eq3A_219 = arith.constant 0 : i32
          %eq3A_220 = arith.cmpi eq, %squeeze3A_218, %eq3A_219 : i32
          %convert_element_type3A_221 = arith.extui %eq3A_220 : i1 to i32
          %cond3A_222 = arith.constant 0 : i32
          %cond3A_223 = arith.cmpi ne, %convert_element_type3A_221, %cond3A_222 : i32
          scf.if %cond3A_223 {
            %broadcast_in_dim3A = arith.constant 0.000000e+00 : f32
            %broadcast_in_dim3A_224 = vector.broadcast %broadcast_in_dim3A : f32 to vector<16xf32>
            %mul3A_225 = arith.constant 16 : i32
            %mul3A_226 = arith.muli %scan3A_110, %mul3A_225 : i32
            %add3A_227 = arith.constant 15 : i32
            %add3A_228 = arith.addi %mul3A_226, %add3A_227 : i32
            %swap3A = arith.index_cast %add3A_228 : i32 to index
            %swap3A_229 = arith.constant 0 : index
            %swap3A_230 = tpu.vector_load %arg8[%swap3A, %swap3A_229] {strides = array<i32>} : memref<512x64xf32, #tpu.memory_space<vmem>>, vector<1x16xf32>,
            %swap3A_231 = vector.shape_cast %swap3A_230 : vector<1x16xf32> to vector<16xf32>
            %swap3A_232 = vector.shape_cast %broadcast_in_dim3A_224 : vector<16xf32> to vector<1x16xf32>
            tpu.vector_store %arg8[%swap3A, %swap3A_229], %swap3A_232 {strides = array<i32>} : memref<512x64xf32, #tpu.memory_space<vmem>>, vector<1x16xf32>,
            %mul3A_233 = arith.constant 16 : i32
            %mul3A_234 = arith.muli %scan3A_110, %mul3A_233 : i32
            %add3A_235 = arith.constant 15 : i32
            %add3A_236 = arith.addi %mul3A_234, %add3A_235 : i32
            %swap3A_237 = arith.index_cast %add3A_236 : i32 to index
            %swap3A_238 = arith.constant 16 : index
            %swap3A_239 = tpu.vector_load %arg8[%swap3A_237, %swap3A_238] {strides = array<i32>} : memref<512x64xf32, #tpu.memory_space<vmem>>, vector<1x16xf32>,
            %swap3A_240 = vector.shape_cast %swap3A_239 : vector<1x16xf32> to vector<16xf32>
            %swap3A_241 = vector.shape_cast %broadcast_in_dim3A_224 : vector<16xf32> to vector<1x16xf32>
            tpu.vector_store %arg8[%swap3A_237, %swap3A_238], %swap3A_241 {strides = array<i32>} : memref<512x64xf32, #tpu.memory_space<vmem>>, vector<1x16xf32>,
            %mul3A_242 = arith.constant 16 : i32
            %mul3A_243 = arith.muli %scan3A_110, %mul3A_242 : i32
            %add3A_244 = arith.constant 15 : i32
            %add3A_245 = arith.addi %mul3A_243, %add3A_244 : i32
            %swap3A_246 = arith.index_cast %add3A_245 : i32 to index
            %swap3A_247 = arith.constant 32 : index
            %swap3A_248 = tpu.vector_load %arg8[%swap3A_246, %swap3A_247] {strides = array<i32>} : memref<512x64xf32, #tpu.memory_space<vmem>>, vector<1x16xf32>,
            %swap3A_249 = vector.shape_cast %swap3A_248 : vector<1x16xf32> to vector<16xf32>
            %swap3A_250 = vector.shape_cast %broadcast_in_dim3A_224 : vector<16xf32> to vector<1x16xf32>
            tpu.vector_store %arg8[%swap3A_246, %swap3A_247], %swap3A_250 {strides = array<i32>} : memref<512x64xf32, #tpu.memory_space<vmem>>, vector<1x16xf32>,
            %mul3A_251 = arith.constant 16 : i32
            %mul3A_252 = arith.muli %scan3A_110, %mul3A_251 : i32
            %add3A_253 = arith.constant 15 : i32
            %add3A_254 = arith.addi %mul3A_252, %add3A_253 : i32
            %swap3A_255 = arith.index_cast %add3A_254 : i32 to index
            %swap3A_256 = arith.constant 48 : index
            %swap3A_257 = tpu.vector_load %arg8[%swap3A_255, %swap3A_256] {strides = array<i32>} : memref<512x64xf32, #tpu.memory_space<vmem>>, vector<1x16xf32>,
            %swap3A_258 = vector.shape_cast %swap3A_257 : vector<1x16xf32> to vector<16xf32>
            %swap3A_259 = vector.shape_cast %broadcast_in_dim3A_224 : vector<16xf32> to vector<1x16xf32>
            tpu.vector_store %arg8[%swap3A_255, %swap3A_256], %swap3A_259 {strides = array<i32>} : memref<512x64xf32, #tpu.memory_space<vmem>>, vector<1x16xf32>,
          } else {
          }
        }
        %scan3A_109 = arith.constant 32 : i32
        "tpu.region"() ({
          %run_scoped3A_110 = tpu.sem_alloc : memref<!tpu.dma_semaphore, #tpu.memory_space<semaphore_mem>>
          %dma_start3A_111 = arith.constant 0 : i32
          %dma_start3A_112 = tpu.memref_slice %arg5[%min3A_14, %dma_start3A_111] : memref<1500000x64xf32, #tpu.memory_space<hbm>> -> memref<512x64xf32, #tpu.memory_space<hbm>>
          %dma_start3A_113 = arith.constant 0 : i32
          %dma_start3A_114 = tpu.memref_slice %arg5[%min3A_14, %dma_start3A_113] : memref<1500000x64xf32, #tpu.memory_space<hbm>> -> memref<512x64xf32, #tpu.memory_space<hbm>>
          tpu.enqueue_dma source(%arg8 : memref<512x64xf32, #tpu.memory_space<vmem>>) target(%dma_start3A_114 : memref<512x64xf32, #tpu.memory_space<hbm>>) target_semaphore(%run_scoped3A_110 : memref<!tpu.dma_semaphore, #tpu.memory_space<semaphore_mem>>)
          %dma_wait3A_115 = arith.constant 0 : i32
          %dma_wait3A_116 = tpu.memref_slice %arg5[%min3A_14, %dma_wait3A_115] : memref<1500000x64xf32, #tpu.memory_space<hbm>> -> memref<512x64xf32, #tpu.memory_space<hbm>>
          %dma_wait3A_117 = arith.constant 0 : i32
          %dma_wait3A_118 = tpu.memref_slice %arg5[%min3A_14, %dma_wait3A_117] : memref<1500000x64xf32, #tpu.memory_space<hbm>> -> memref<512x64xf32, #tpu.memory_space<hbm>>
          tpu.wait_dma2 semaphore(%run_scoped3A_110 : memref<!tpu.dma_semaphore, #tpu.memory_space<semaphore_mem>>) src(%arg8 : memref<512x64xf32, #tpu.memory_space<vmem>>) dst(%dma_wait3A_118 : memref<512x64xf32, #tpu.memory_space<hbm>>)
          tpu.yield
        }) : () -> ()
      } else {
      }
    }
    %scan3A_5 = arith.constant 92 : i32
    return
  }
}

</mosaic_0001>

<sc_bundles>
// kernel: kernel.3.cloned.1.call-start
scs
__scs_entry_jumppad:
0x0: {  	(pc) =	sbr.rel $0x88, $3  }
0x1: {  	(tag) =	ssettag $0x0;
	lr =	simm.s32 $0x1  }
0x2: {  	[smem:$0x3F9E] =	sst lr;
	_ =	strace $0xD0000000  }
0x3: {  	_ = 	snop  }
0x4: {  	_ = 	snop  }
0x5: {  	_ = 	snop  }
0x6: {  	_ = 	snop  }
0x7: {  	_ = 	snop  }
__scs_overlays_trampoline_lowered:
0x8: {  	[smem:$0x3FAD] =	sst s0  }
0x9: {  	[smem:$0x3FAE] =	sst s1  }
0xa: {  	[smem:$0x3FAF] =	sst s2  }
0xb: {  	[smem:$0x3FB0] =	sst s3  }
0xc: {  	[smem:$0x3FB1] =	sst s4  }
0xd: {  	[smem:$0x3FB2] =	sst s5  }
0xe: {  	[smem:$0x3FB3] =	sst s6  }
0xf: {  	[smem:$0x3FB4] =	sst s7  }
0x10: {  	[smem:$0x3FB5] =	sst s8  }
0x11: {  	[smem:$0x3FB6] =	sst s9;
	s0 =	simm.s32 @!p0 $0x0  }
0x12: {  	s1 =	sld [smem:$0x3F9C];
	s0 =	simm.s32 @p0 $0x1  }
0x13: {  	[smem:$0x3FB7] =	sst s0;
	s0 =	simm.s32 @!p1 $0x0  }
0x14: {  	s2 =	sld [smem:$0x3F9B];
	s0 =	simm.s32 @p1 $0x1  }
0x15: {  	[smem:$0x3FB8] =	sst s0;
	s0 =	simm.s32 @!p2 $0x0  }
0x16: {  	s3 =	sld [smem:$0x3FDB];
	s0 =	simm.s32 @p2 $0x1  }
0x17: {  	s4 =	simm.s32 $0x1BF5;
	[smem:$0x3FBA] =	sst s0  }
0x18: {  	s0 =	sld [smem:$0x3F9D];
	_ =	swait.ge [sflag:s4], $0x0  }
0x19: {  	s7 =	sld [smem:$0x3F9E]  }
0x1a: {  	s8 =	sadd.s32 $0xFFFFE003, lr  }
0x1b: {  	s9 =	sadd.s32 $0xFFFFFEF7, lr;
	s5 =	simm.s32 $0xFFFFFFFF;
	p2 =	slt.u32 s8, $0xFFFFF086  }
0x1c: {  	p1 =	slt.u32 s9, $0xF7A;
	s5 =	simm.s32 @!p2 $0x0  }
0x1d: {  	s5 =	simm.s32 @p1 $0x1;
	p0 =	seq.s32 s7, s2  }
0x1e: {  	s7 =	smul.u32 @!p0 $0xF7A, s2;
	p2 =	seq.s32 @!p0 s5, $0x0  }
0x1f: {  	s9 =	smul.u32 $0xF7A, s1;
	s8 =	simm.s32 @!p0 $0x1BF5;
	p2 =	por !p2, p0  }
0x20: {  	[sflag:s8] =	ssyncset.s32 @!p0 $0xFFFFF086;
	s6 =	sadd.s32 @!p0 s3, s7;
	s7 =	simm.s32 @!p0 $0x108  }
0x21: {  	s3 =	sadd.s32 s3, s9;
	s6 =	sadd.s32 @!p0 $0x88, s6;
	s7 =	simm.s32 @p2 $0x1082  }
0x22: {  	[simem:s7], [sflag:s8] =	dma.local @!p0 [hbm:s6], $0xF7A  }
0x23: {  	s9 =	sor.u32 $0xD0000000, s2;
	s6 =	simm.s32 $0x108;
	_ =	swait.ge @!p0 [sflag:s8], $0x0  }
0x24: {  	s3 =	sadd.s32 $0x88, s3;
	s6 =	simm.s32 @!p1 $0x1082;
	[sflag:s4] =	ssyncset.s32 $0xFFFFF086  }
0x25: {  	[simem:s6], [sflag:s4] =	dma.local [hbm:s3], $0xF7A  }
0x26: {  	[smem:$0x3F9E] =	sst s1;
	(tag) =	ssettag s2;
	_ =	strace s9  }
0x27: {  	s1 =	sld [smem:$0x3FAE]  }
0x28: {  	s2 =	sld [smem:$0x3FAF]  }
0x29: {  	s4 =	sld [smem:$0x3FB1]  }
0x2a: {  	p0 =	seq.s32 s5, $0x0;
	s5 =	sld [smem:$0x3FB2]  }
0x2b: {  	s6 =	sld [smem:$0x3FB3]  }
0x2c: {  	s7 =	sld [smem:$0x3FB4]  }
0x2d: {  	s3 =	simm.s32 $0x108;
	s8 =	sld [smem:$0x3FB5]  }
0x2e: {  	s3 =	simm.s32 @!p0 $0x1082;
	s9 =	sld [smem:$0x3FB6]  }
0x2f: {  	lr =	sadd.s32 s0, s3;
	s0 =	sld [smem:$0x3FAD]  }
0x30: {  	s3 =	sld [smem:$0x3FB0]  }
0x31: {  	[smem:$0x3FB9] =	sst s10  }
0x32: {  	s10 =	sld [smem:$0x3FB7];
	_ =	sdelay $0x3  }
0x33: {  	p0 =	seq.s32 s10, $0x1;
	s10 =	sld [smem:$0x3FB9];
	_ =	sdelay $0x3  }
0x34: {  	[smem:$0x3FB9] =	sst s10  }
0x35: {  	s10 =	sld [smem:$0x3FB8];
	_ =	sdelay $0x3  }
0x36: {  	p1 =	seq.s32 s10, $0x1;
	s10 =	sld [smem:$0x3FB9];
	_ =	sdelay $0x3  }
0x37: {  	[smem:$0x3FB9] =	sst s10  }
0x38: {  	s10 =	sld [smem:$0x3FBA]  }
0x39: {  	_ = 	snop;
	(pc) =	sbr.ind lr, $3  }
0x3a: {  	_ = 	snop  }
0x3b: {  	_ = 	snop  }
0x3c: {  	p2 =	seq.s32 s10, $0x1;
	s10 =	sld [smem:$0x3FB9]  }
0x3d: {  	_ =	shalt  }
0x3e: {  	_ =	shalt  }
0x3f: {  	_ =	shalt  }
0x40: {  	_ =	shalt  }
0x41: {  	_ =	shalt  }
0x42: {  	_ =	shalt  }
0x43: {  	_ =	shalt  }
0x44: {  	_ =	shalt  }
0x45: {  	_ =	shalt  }
0x46: {  	_ =	shalt  }
0x47: {  	_ =	shalt  }
0x48: {  	_ =	shalt  }
0x49: {  	_ =	shalt  }
0x4a: {  	_ =	shalt  }
0x4b: {  	_ =	shalt  }
0x4c: {  	_ =	shalt  }
0x4d: {  	_ =	shalt  }
0x4e: {  	_ =	shalt  }
0x4f: {  	_ =	shalt  }
0x50: {  	_ =	shalt  }
0x51: {  	_ =	shalt  }
0x52: {  	_ =	shalt  }
0x53: {  	_ =	shalt  }
0x54: {  	_ =	shalt  }
0x55: {  	_ =	shalt  }
0x56: {  	_ =	shalt  }
0x57: {  	_ =	shalt  }
0x58: {  	_ =	shalt  }
0x59: {  	_ =	shalt  }
0x5a: {  	_ =	shalt  }
0x5b: {  	_ =	shalt  }
0x5c: {  	_ =	shalt  }
0x5d: {  	_ =	shalt  }
0x5e: {  	_ =	shalt  }
0x5f: {  	_ =	shalt  }
0x60: {  	_ =	shalt  }
0x61: {  	_ =	shalt  }
0x62: {  	_ =	shalt  }
0x63: {  	_ =	shalt  }
0x64: {  	_ =	shalt  }
0x65: {  	_ =	shalt  }
0x66: {  	_ =	shalt  }
0x67: {  	_ =	shalt  }
0x68: {  	_ =	shalt  }
0x69: {  	_ =	shalt  }
0x6a: {  	_ =	shalt  }
0x6b: {  	_ =	shalt  }
0x6c: {  	_ =	shalt  }
0x6d: {  	_ =	shalt  }
0x6e: {  	_ =	shalt  }
0x6f: {  	_ =	shalt  }
0x70: {  	_ =	shalt  }
0x71: {  	_ =	shalt  }
0x72: {  	_ =	shalt  }
0x73: {  	_ =	shalt  }
0x74: {  	_ =	shalt  }
0x75: {  	_ =	shalt  }
0x76: {  	_ =	shalt  }
0x77: {  	_ =	shalt  }
0x78: {  	_ =	shalt  }
0x79: {  	_ =	shalt  }
0x7a: {  	_ =	shalt  }
0x7b: {  	_ =	shalt  }
0x7c: {  	_ =	shalt  }
0x7d: {  	_ =	shalt  }
0x7e: {  	_ =	shalt  }
0x7f: {  	_ =	shalt  }
0x80: {  	_ =	shalt  }
0x81: {  	_ =	shalt  }
0x82: {  	_ =	shalt  }
0x83: {  	_ =	shalt  }
0x84: {  	_ =	shalt  }
0x85: {  	_ =	shalt  }
0x86: {  	_ =	shalt  }
0x87: {  	_ =	shalt  }
.Lfunc_end0:
.L_simem_size_0:
called_computation.1_lowered:
.L_overlay_start_0:
0x88: {  	s2 =	sld [smem:$0x3FD9]  }
0x89: {  	s3 =	sld [smem:$0x3FFE];
	_ =	sdelay $0x1  }
0x8a: {  	s1 =	srdreg.scid  }
0x8b: {  	s0 =	sand.u32 $0x1, s1  }
0x8c: {  	s17 =	sshll.u32 s0, $0xA;
	s2 =	sadd.s32 s3, s2  }
0x8d: {  	s2 =	sadd.s32 s2, s17  }
0x8e: {  	[smem:$0x3FC5] =	sst s2  }
0x8f: {  	_ = 	snop  }
0x90: {  	s2 =	sld [smem:$0x3FC8]  }
0x91: {  	s18 =	sld [smem:$0x3FC7]  }
0x92: {  	s4 =	sld [smem:$0x3FD0];
	(tm) =	ssettm $0x1  }
0x93: {  	s5 =	sld [smem:$0x3FFB];
	_ =	sdelay $0x3  }
0x94: {  	_ =	strace s5  }
0x95: {  	s5 =	sld [smem:$0x3FFC];
	_ =	sdelay $0x3  }
0x96: {  	_ =	strace s5  }
0x97: {  	s5 =	sld [smem:$0x3FFD];
	_ =	sdelay $0x3  }
0x98: {  	_ =	strace s5  }
0x99: {  	_ =	strace $0x8FFFFFFF  }
0x9a: {  	s19 =	sld [smem:$0x3FDB];
	_ =	sdelay $0x1  }
0x9b: {  	s6 =	simm.s32 $_scs_section_size  }
0x9c: {  	s7 =	simm.s32 $_size__tile_overlayer_lowered;
	s8 =	simm.s32 $_tile_overlayer_lowered  }
0x9d: {  	s22 =	simm.s32 $0x1BFF;
	s21 =	sshll.u32 s8, $0x1;
	s5 =	sadd.s32 s6, s19  }
0x9e: {  	s9 =	simm.s32 $0x0;
	s20 =	sshll.u32 s7, $0x1;
	s7 =	sadd.s32 s21, s5  }
0x9f: {  	[timem:s9], [sflag:s22] =	dma.local [hbm:s7], s20  }
0xa0: {  	_ =	swait.ge [sflag:s22], s20  }
0xa1: {  	s6 =	ssub.s32 $0x0, s20;
	[sflag:s22] =	ssyncset.done $0x0  }
0xa2: {  	[sflag:s22] =	ssyncadd.s32 s6;
	_ =	sdelay $0x1  }
0xa3: {  	s23 =	simm.s32 $0x1B8B  }
0xa4: {  	_ =	swait.ge [sflag:s23], $0x1  }
0xa5: {  	[sflag:s23] =	ssyncset.done $0x0  }
0xa6: {  	s25 =	simm.s32 $0x1B8E;
	s24 =	sld [smem:$0x3FFE];
	[sflag:s23] =	ssyncadd.s32 $0xFFFFFFFF  }
0xa7: {  	s26 =	simm.s32 $execute0_lowered;
	[smem:$0x3FD2] =	sst s25  }
0xa8: {  	s7 =	sshll.u32 s26, $0x1;
	_ =	strace $0x80000046;
	[dreg:$0x1] =	wrdreg $0xFFFFFFFF  }
0xa9: {  	s28 =	simm.s32 $_size_execute0_lowered;
	s5 =	sadd.s32 s5, s7;
	[dreg:$0x0] =	wrdreg $0x0  }
0xaa: {  	s7 =	sshll.u32 s28, $0x1;
	[dreg:$0x2] =	wrdreg s5  }
0xab: {  	[dreg:$0x3] =	wrdreg s7  }
0xac: {  	[dreg:$0x4] =	wrdreg $0xC0  }
0xad: {  	_ =	task [dreg:s9], $0x5FFFF  }
0xae: {  	[dreg:$0x1] =	wrdreg $0xFFFFFFFF  }
0xaf: {  	[dreg:$0x0] =	wrdreg $0x60  }
0xb0: {  	[dreg:$0x2] =	wrdreg s24  }
0xb1: {  	[dreg:$0x3] =	wrdreg s2  }
0xb2: {  	[dreg:$0x4] =	wrdreg s18  }
0xb3: {  	[dreg:$0x5] =	wrdreg s4  }
0xb4: {  	[dreg:$0x6] =	wrdreg $0x9  }
0xb5: {  	_ =	task.clear_ibuf [dreg:s9], $0x7FFFF;
	_ =	strace $0x90000046  }
0xb6: {  	s29 =	simm.s32 $0x9;
	_ =	strace $0x80000048  }
0xb7: {  	_ =	swait.ge [sflag:s29], $0x1  }
0xb8: {  	[sflag:s29] =	ssyncadd.s32 $0xFFFFFFFF  }
0xb9: {  	_ =	strace $0x90000048  }
0xba: {  	_ =	sfence  }
0xbb: {  	s30 =	sld [smem:$0x0];
	_ =	sdelay $0x2  }
0xbc: {  	s31 =	sshll.u32 s1, $0xD;
	s1 =	sshrl.u32 s1, $0x2  }
0xbd: {  	s3 =	sand.u32 $0x4000, s31;
	s1 =	sadd.s32 s1, s30  }
0xbe: {  	s0 =	sor.u32 s3, s0;
	s1 =	sshll.u32 s1, $0x11  }
0xbf: {  	s0 =	sor.u32 s1, s0  }
0xc0: {  	s0 =	sadd.s32 $0x8F2B, s0  }
0xc1: {  	[sflag:s0] =	ssyncadd.remote.s32 $0x1  }
0xc2: {  	_ =	sfence.sel $0xFFFF  }
0xc3: {  	[dreg:$0x0] =	wrdreg $0xFFFFFFFF;
	(pc) =	sbr.abs _section_cstart, $3  }
0xc4: {  	[dreg:$0x1] =	wrdreg $0xFFFFFFFF  }
0xc5: {  	_ =	task.clear_ibuf [dreg:s9], $0x2FFFF;
	_ =	strace $0x9FFFFFFF  }
0xc6: {  	(tm) =	ssettm $0x7FFFFFFF  }
0xc7: {  	_ =	shalt  }
tec
execute0_lowered:
.L_overlay_start_1:
0x0: {  	(tag) =	ssettag $0x1  }
0x1: {  	s6 =	rddreg [dreg:$0x0]  }
0x2: {  	s1 =	rddreg [dreg:$0x1]  }
0x3: {  	s2 =	rddreg [dreg:$0x2]  }
0x4: {  	s3 =	rddreg [dreg:$0x3]  }
0x5: {  	s5 =	srdreg.scid;
	s0 =	rddreg [dreg:$0x4];
	s4 =	simm.s32 $0x0  }
0x6: {  	s11 =	simm.s32 $0x3;
	s12 =	simm.s32 $0x80;
	s13 =	simm.s32 $0x100  }
0x7: {  	s14 =	simm.s32 $0x180;
	s15 =	simm.s32 $0x200;
	s16 =	simm.s32 $0x400  }
0x8: {  	s17 =	simm.s32 $0x2400;
	s18 =	simm.s32 $0x4400;
	s19 =	simm.s32 $0x6400  }
.Ltmp0:
0x9: {  	s20 =	simm.s32 $0x1;
	s5 =	sand.u32 $0x1, s5;
	(pc) =	sbr.rel .LBB2_1-.Ltmp0, $4  }
0xa: {  	s21 =	simm.s32 $0x2;
	s22 =	simm.s32 $0x0;
	s8 =	ssub.s32 $0x2, s5  }
0xb: {  	[smem:$0x7FF] =	sst s4;
	s7 =	sadd.s32 $0xF42C00, s6;
	s9 =	sshrl.u32 s8, $0x1  }
0xc: {  	s6 =	stileid.u32;
	_ =	strace $0x80000047;
	s10 =	ssub.s32 s8, s9  }
0xd: {  	s8 =	sshll.u32 s6, $0x1;
	s9 =	sadd.s32 $0x10, s1;
	s10 =	smax.u32 s10, $0x1  }
.LBB2_7:
0xe: {  	s22 =	sadd.s32 $0x1, s22  }
0xf: {  	p0 =	sne.s32 s22, s10  }
.Ltmp1:
0x10: {  	_ = 	snop;
	(pc) =	sbr.rel @!p0 .LBB2_8-.Ltmp1, $1  }
0x11: {  	_ =	sdelay $0x3  }
.LBB2_1:
.Ltmp2:
0x12: {  	(pc) =	sbr.rel .LBB2_2-.Ltmp2, $2  }
0x13: {  	_ =	sdelay $0x2  }
0x14: {  	s23 =	simm.s32 $0x0  }
.LBB2_6:
0x15: {  	s23 =	sadd.s32 $0x1, s23  }
0x16: {  	p0 =	sne.s32 s23, $0x5C  }
.Ltmp3:
0x17: {  	_ = 	snop;
	(pc) =	sbr.rel @!p0 .LBB2_7-.Ltmp3, $1  }
0x18: {  	_ =	sdelay $0x3  }
.LBB2_2:
0x19: {  	s24 =	sshll.u32 s23, $0x5  }
0x1a: {  	s24 =	sor.u32 s8, s24  }
0x1b: {  	p0 =	sgt.u32 s24, $0xB71  }
.Ltmp4:
0x1c: {  	_ = 	snop;
	(pc) =	sbr.rel @p0 .LBB2_6-.Ltmp4, $1  }
0x1d: {  	_ =	sdelay $0x3  }
0x1e: {  	s24 =	sor.u32 s5, s24  }
0x1f: {  	s24 =	sshll.u32 s24, $0x9  }
0x20: {  	s24 =	smin.u32 s24, $0x16E160  }
0x21: {  	s25 =	sshrl.u32 s24, $0x3  }
0x22: {  	s28 =	simm.s32 $0x0;
	s26 =	sadd.s32 s1, s25  }
0x23: {  	[tilespmem:s28], [sflag:$0x3] =	stream.linear.gather [hbm4b:s26+s28], $0x80, $0x38;
	[tilespmem:$0x8400] =	vst v63  }
0x24: {  	_ =	swait.ge [sflag:s11], $0x80  }
0x25: {  	[sflag:s11] =	ssyncset.done $0x0  }
0x26: {  	s29 =	sadd.s32 s25, s9;
	[sflag:s11] =	ssyncadd.s32 $0xFFFFFF80  }
0x27: {  	[tilespmem:s12], [sflag:$0x3] =	stream.linear.gather [hbm4b:s29+s28], $0x80, $0x38;
	[tilespmem:$0x8400] =	vst v63  }
0x28: {  	_ =	swait.ge [sflag:s11], $0x80  }
0x29: {  	[sflag:s11] =	ssyncset.done $0x0  }
0x2a: {  	s31 =	sadd.s32 $0x20, s26;
	[sflag:s11] =	ssyncadd.s32 $0xFFFFFF80  }
0x2b: {  	[tilespmem:s13], [sflag:$0x3] =	stream.linear.gather [hbm4b:s31+s28], $0x80, $0x38;
	[tilespmem:$0x8400] =	vst v63  }
0x2c: {  	_ =	swait.ge [sflag:s11], $0x80  }
0x2d: {  	[sflag:s11] =	ssyncset.done $0x0  }
0x2e: {  	s26 =	sadd.s32 $0x30, s26;
	[sflag:s11] =	ssyncadd.s32 $0xFFFFFF80  }
0x2f: {  	[tilespmem:s14], [sflag:$0x3] =	stream.linear.gather [hbm4b:s26+s28], $0x80, $0x38;
	[tilespmem:$0x8400] =	vst v63  }
0x30: {  	_ =	swait.ge [sflag:s11], $0x80  }
0x31: {  	[sflag:s11] =	ssyncset.done $0x0  }
0x32: {  	s25 =	sadd.s32 s2, s25;
	[sflag:s11] =	ssyncadd.s32 $0xFFFFFF80  }
0x33: {  	[tilespmem:s15], [sflag:$0x3] =	stream.linear.gather [hbm4b:s25+s28], $0x200, $0x38;
	[tilespmem:$0x8400] =	vst v63  }
0x34: {  	_ =	swait.ge [sflag:s11], $0x200  }
0x35: {  	[sflag:s11] =	ssyncset.done $0x0  }
0x36: {  	[sflag:s11] =	ssyncadd.s32 $0xFFFFFE00  }
0x37: {  	[tilespmem:s16], [sflag:$0x1] =	stream.indirect.gather [hbm4b:s7+s12], $0x40, s28, s12, $0xb8;
	[tilespmem:$0x8400] =	vst v63  }
0x38: {  	_ = 	snop  }
0x39: {  	[tilespmem:s17], [sflag:$0x1] =	stream.indirect.gather [hbm4b:s7+s12], $0x40, s12, s12, $0xb8;
	[tilespmem:$0x8400] =	vst v63  }
0x3a: {  	_ = 	snop  }
0x3b: {  	[tilespmem:s18], [sflag:$0x1] =	stream.indirect.gather [hbm4b:s7+s12], $0x40, s13, s12, $0xb8;
	[tilespmem:$0x8400] =	vst v63  }
0x3c: {  	_ = 	snop  }
0x3d: {  	[tilespmem:s19], [sflag:$0x1] =	stream.indirect.gather [hbm4b:s7+s12], $0x40, s14, s12, $0xb8;
	[tilespmem:$0x8400] =	vst v63  }
0x3e: {  	_ =	swait.ge [sflag:s20], $0x2000  }
0x3f: {  	[sflag:s20] =	ssyncset.done $0x0  }
0x40: {  	[sflag:s20] =	ssyncadd.s32 $0xFFFFE000  }
0x41: {  	_ =	swait.ge [sflag:s20], $0x2000  }
0x42: {  	[sflag:s20] =	ssyncset.done $0x0  }
0x43: {  	[sflag:s20] =	ssyncadd.s32 $0xFFFFE000  }
0x44: {  	_ =	swait.ge [sflag:s20], $0x2000  }
0x45: {  	[sflag:s20] =	ssyncset.done $0x0  }
0x46: {  	[sflag:s20] =	ssyncadd.s32 $0xFFFFE000  }
0x47: {  	_ =	swait.ge [sflag:s20], $0x2000  }
0x48: {  	[sflag:s20] =	ssyncset.done $0x0  }
0x49: {  	s26 =	simm.s32 $0x0;
	[sflag:s20] =	ssyncadd.s32 $0xFFFFE000  }
0x4a: {  	v0 =	vld [tilespmem:s26+$0x200];
	_ =	sdelay $0x4  }
0x4b: {  	(v2sf) =	vpush v0, $0x0;
	_ =	sdelay $0x3  }
0x4c: {  	(v2sf) =	vpush v0, $0x1;
	_ =	sdelay $0x3  }
0x4d: {  	(v2sf) =	vpush v0, $0x2;
	_ =	sdelay $0x3  }
0x4e: {  	(v2sf) =	vpush v0, $0x3;
	_ =	sdelay $0x2  }
0x4f: {  	s28 =	spop (v2sf)  }
0x50: {  	(v2sf) =	vpush v0, $0x4;
	p0 =	sne.s32 s28, $0x0  }
0x51: {  	s25 =	simm.s32 $0x600;
	v1 =	vimm.f32 @!p0 $0.0e+00  }
0x52: {  	[tilespmem:s25+$0xFFFFFE00] =	vst @!p0 v1  }
0x53: {  	s29 =	spop (v2sf);
	[tilespmem:s25+$0xFFFFFE10] =	vst @!p0 v1  }
0x54: {  	(v2sf) =	vpush v0, $0x5;
	p1 =	sne.s32 s29, $0x0;
	[tilespmem:s25+$0xFFFFFE20] =	vst @!p0 v1  }
0x55: {  	v2 =	vimm.f32 @!p1 $0.0e+00;
	[tilespmem:s25+$0xFFFFFE30] =	vst @!p0 v1  }
0x56: {  	[tilespmem:s25+$0xFFFFFE40] =	vst @!p1 v2  }
0x57: {  	s30 =	spop (v2sf);
	[tilespmem:s25+$0xFFFFFE50] =	vst @!p1 v2  }
0x58: {  	(v2sf) =	vpush v0, $0x6;
	p0 =	sne.s32 s30, $0x0;
	[tilespmem:s25+$0xFFFFFE60] =	vst @!p1 v2  }
0x59: {  	v1 =	vimm.f32 @!p0 $0.0e+00;
	[tilespmem:s25+$0xFFFFFE70] =	vst @!p1 v2  }
0x5a: {  	[tilespmem:s25+$0xFFFFFE80] =	vst @!p0 v1  }
0x5b: {  	s31 =	spop (v2sf);
	[tilespmem:s25+$0xFFFFFE90] =	vst @!p0 v1  }
0x5c: {  	(v2sf) =	vpush v0, $0x7;
	p1 =	sne.s32 s31, $0x0;
	[tilespmem:s25+$0xFFFFFEA0] =	vst @!p0 v1  }
0x5d: {  	v2 =	vimm.f32 @!p1 $0.0e+00;
	[tilespmem:s25+$0xFFFFFEB0] =	vst @!p0 v1  }
0x5e: {  	[tilespmem:s25+$0xFFFFFEC0] =	vst @!p1 v2  }
0x5f: {  	[tilespmem:s25+$0xFFFFFED0] =	vst @!p1 v2;
	s28 =	spop (v2sf)  }
0x60: {  	[tilespmem:s25+$0xFFFFFEE0] =	vst @!p1 v2;
	(v2sf) =	vpush v0, $0x8;
	p0 =	sne.s32 s28, $0x0  }
0x61: {  	[tilespmem:s25+$0xFFFFFEF0] =	vst @!p1 v2;
	v1 =	vimm.f32 @!p0 $0.0e+00  }
0x62: {  	[tilespmem:s25+$0xFFFFFF00] =	vst @!p0 v1  }
0x63: {  	s29 =	spop (v2sf);
	[tilespmem:s25+$0xFFFFFF10] =	vst @!p0 v1  }
0x64: {  	(v2sf) =	vpush v0, $0x9;
	p1 =	sne.s32 s29, $0x0;
	[tilespmem:s25+$0xFFFFFF20] =	vst @!p0 v1  }
0x65: {  	v2 =	vimm.f32 @!p1 $0.0e+00;
	[tilespmem:s25+$0xFFFFFF30] =	vst @!p0 v1  }
0x66: {  	[tilespmem:s25+$0xFFFFFF40] =	vst @!p1 v2  }
0x67: {  	s30 =	spop (v2sf);
	[tilespmem:s25+$0xFFFFFF50] =	vst @!p1 v2  }
0x68: {  	(v2sf) =	vpush v0, $0xA;
	p0 =	sne.s32 s30, $0x0;
	[tilespmem:s25+$0xFFFFFF60] =	vst @!p1 v2  }
0x69: {  	v1 =	vimm.f32 @!p0 $0.0e+00;
	[tilespmem:s25+$0xFFFFFF70] =	vst @!p1 v2  }
0x6a: {  	[tilespmem:s25+$0xFFFFFF80] =	vst @!p0 v1  }
0x6b: {  	s31 =	spop (v2sf);
	[tilespmem:s25+$0xFFFFFF90] =	vst @!p0 v1  }
0x6c: {  	(v2sf) =	vpush v0, $0xB;
	p1 =	sne.s32 s31, $0x0;
	[tilespmem:s25+$0xFFFFFFA0] =	vst @!p0 v1  }
0x6d: {  	v2 =	vimm.f32 @!p1 $0.0e+00;
	[tilespmem:s25+$0xFFFFFFB0] =	vst @!p0 v1  }
0x6e: {  	[tilespmem:s25+$0xFFFFFFC0] =	vst @!p1 v2  }
0x6f: {  	[tilespmem:s25+$0xFFFFFFD0] =	vst @!p1 v2;
	s28 =	spop (v2sf)  }
0x70: {  	[tilespmem:s25+$0xFFFFFFE0] =	vst @!p1 v2;
	(v2sf) =	vpush v0, $0xC;
	p0 =	sne.s32 s28, $0x0  }
0x71: {  	[tilespmem:s25+$0xFFFFFFF0] =	vst @!p1 v2;
	v1 =	vimm.f32 @!p0 $0.0e+00  }
0x72: {  	[tilespmem:s25+$0x0] =	vst @!p0 v1  }
0x73: {  	s29 =	spop (v2sf);
	[tilespmem:s25+$0x10] =	vst @!p0 v1  }
0x74: {  	(v2sf) =	vpush v0, $0xD;
	p1 =	sne.s32 s29, $0x0;
	[tilespmem:s25+$0x20] =	vst @!p0 v1  }
0x75: {  	v2 =	vimm.f32 @!p1 $0.0e+00;
	[tilespmem:s25+$0x30] =	vst @!p0 v1  }
0x76: {  	[tilespmem:s25+$0x40] =	vst @!p1 v2  }
0x77: {  	s30 =	spop (v2sf);
	[tilespmem:s25+$0x50] =	vst @!p1 v2  }
0x78: {  	(v2sf) =	vpush v0, $0xE;
	p0 =	sne.s32 s30, $0x0;
	[tilespmem:s25+$0x60] =	vst @!p1 v2  }
0x79: {  	v1 =	vimm.f32 @!p0 $0.0e+00;
	[tilespmem:s25+$0x70] =	vst @!p1 v2  }
0x7a: {  	[tilespmem:s25+$0x80] =	vst @!p0 v1  }
0x7b: {  	s31 =	spop (v2sf);
	[tilespmem:s25+$0x90] =	vst @!p0 v1  }
0x7c: {  	(v2sf) =	vpush v0, $0xF;
	p1 =	sne.s32 s31, $0x0;
	[tilespmem:s25+$0xA0] =	vst @!p0 v1  }
0x7d: {  	v0 =	vimm.f32 @!p1 $0.0e+00;
	[tilespmem:s25+$0xB0] =	vst @!p0 v1  }
0x7e: {  	[tilespmem:s25+$0xC0] =	vst @!p1 v0  }
0x7f: {  	[tilespmem:s25+$0xD0] =	vst @!p1 v0;
	s28 =	spop (v2sf)  }
0x80: {  	[tilespmem:s25+$0xE0] =	vst @!p1 v0;
	p0 =	sne.s32 s28, $0x0  }
0x81: {  	[tilespmem:s25+$0xF0] =	vst @!p1 v0;
	v1 =	vimm.f32 @!p0 $0.0e+00  }
0x82: {  	[tilespmem:s25+$0x100] =	vst @!p0 v1  }
0x83: {  	s29 =	spop (v2sf);
	[tilespmem:s25+$0x110] =	vst @!p0 v1  }
0x84: {  	p1 =	sne.s32 s29, $0x0;
	[tilespmem:s25+$0x120] =	vst @!p0 v1  }
0x85: {  	v0 =	vimm.f32 @!p1 $0.0e+00;
	[tilespmem:s25+$0x130] =	vst @!p0 v1  }
0x86: {  	[tilespmem:s25+$0x140] =	vst @!p1 v0  }
0x87: {  	s30 =	spop (v2sf);
	[tilespmem:s25+$0x150] =	vst @!p1 v0  }
0x88: {  	p0 =	sne.s32 s30, $0x0;
	[tilespmem:s25+$0x160] =	vst @!p1 v0  }
0x89: {  	v1 =	vimm.f32 @!p0 $0.0e+00;
	[tilespmem:s25+$0x170] =	vst @!p1 v0  }
0x8a: {  	[tilespmem:s25+$0x180] =	vst @!p0 v1  }
0x8b: {  	s31 =	spop (v2sf);
	[tilespmem:s25+$0x190] =	vst @!p0 v1  }
0x8c: {  	p2 =	sne.s32 s31, $0x0;
	[tilespmem:s25+$0x1A0] =	vst @!p0 v1  }
0x8d: {  	[tilespmem:s25+$0x1B0] =	vst @!p0 v1;
	v0 =	vimm.f32 @!p2 $0.0e+00  }
0x8e: {  	[tilespmem:s25+$0x1C0] =	vst @!p2 v0  }
0x8f: {  	[tilespmem:s25+$0x1D0] =	vst @!p2 v0  }
0x90: {  	s26 =	simm.s32 $0x40;
	[tilespmem:s25+$0x1E0] =	vst @!p2 v0  }
.LBB2_4:
0x91: {  	s28 =	sshra.s32 s26, $0x2;
	[tilespmem:s25+$0x1F0] =	vst @!p2 v0  }
0x92: {  	v0 =	vld [tilespmem:s28+$0x200];
	_ =	sdelay $0x4  }
0x93: {  	(v2sf) =	vpush v0, $0x0;
	_ =	sdelay $0x2  }
0x94: {  	(v2sf) =	vpush v0, $0x1  }
0x95: {  	(v2sf) =	vpush v0, $0x2  }
0x96: {  	(v2sf) =	vpush v0, $0x3  }
0x97: {  	(v2sf) =	vpush v0, $0x4  }
0x98: {  	(v2sf) =	vpush v0, $0x5  }
0x99: {  	(v2sf) =	vpush v0, $0x6  }
0x9a: {  	(v2sf) =	vpush v0, $0x7  }
0x9b: {  	(v2sf) =	vpush v0, $0x8  }
0x9c: {  	(v2sf) =	vpush v0, $0x9  }
0x9d: {  	(v2sf) =	vpush v0, $0xA  }
0x9e: {  	(v2sf) =	vpush v0, $0xB  }
0x9f: {  	(v2sf) =	vpush v0, $0xC  }
0xa0: {  	(v2sf) =	vpush v0, $0xD;
	s29 =	spop (v2sf)  }
0xa1: {  	(v2sf) =	vpush v0, $0xE;
	p1 =	sne.s32 s29, $0x0  }
0xa2: {  	s25 =	sadd.s32 $0x400, s25;
	(v2sf) =	vpush v0, $0xF;
	v0 =	vimm.f32 @!p1 $0.0e+00  }
0xa3: {  	[tilespmem:s25+$0xFFFFFE00] =	vst @!p1 v0  }
0xa4: {  	s30 =	spop (v2sf);
	[tilespmem:s25+$0xFFFFFE10] =	vst @!p1 v0  }
0xa5: {  	p2 =	sne.s32 s30, $0x0;
	[tilespmem:s25+$0xFFFFFE20] =	vst @!p1 v0  }
0xa6: {  	v1 =	vimm.f32 @!p2 $0.0e+00;
	[tilespmem:s25+$0xFFFFFE30] =	vst @!p1 v0  }
0xa7: {  	[tilespmem:s25+$0xFFFFFE40] =	vst @!p2 v1  }
0xa8: {  	s31 =	spop (v2sf);
	[tilespmem:s25+$0xFFFFFE50] =	vst @!p2 v1  }
0xa9: {  	p3 =	sne.s32 s31, $0x0;
	[tilespmem:s25+$0xFFFFFE60] =	vst @!p2 v1  }
0xaa: {  	v2 =	vimm.f32 @!p3 $0.0e+00;
	[tilespmem:s25+$0xFFFFFE70] =	vst @!p2 v1  }
0xab: {  	[tilespmem:s25+$0xFFFFFE80] =	vst @!p3 v2  }
0xac: {  	s29 =	spop (v2sf);
	[tilespmem:s25+$0xFFFFFE90] =	vst @!p3 v2  }
0xad: {  	p6 =	sne.s32 s29, $0x0;
	[tilespmem:s25+$0xFFFFFEA0] =	vst @!p3 v2  }
0xae: {  	s26 =	sadd.s32 $0x40, s26;
	s30 =	spop (v2sf);
	v3 =	vimm.f32 @!p6 $0.0e+00;
	[tilespmem:s25+$0xFFFFFEB0] =	vst @!p3 v2  }
0xaf: {  	p0 =	sne.s32 s26, $0x800;
	s31 =	spop (v2sf);
	[tilespmem:s25+$0xFFFFFEC0] =	vst @!p6 v3  }
0xb0: {  	s28 =	simm.s32 @!p0 $0x0;
	s29 =	spop (v2sf);
	[tilespmem:s25+$0xFFFFFED0] =	vst @!p6 v3  }
0xb1: {  	s28 =	simm.s32 @p0 $0x1;
	p5 =	sne.s32 s30, $0x0;
	[tilespmem:s25+$0xFFFFFEE0] =	vst @!p6 v3;
	s30 =	spop (v2sf)  }
0xb2: {  	[smem:$0x7FD] =	sst s28;
	v4 =	vimm.f32 @!p5 $0.0e+00;
	[tilespmem:s25+$0xFFFFFEF0] =	vst @!p6 v3;
	p0 =	sne.s32 s30, $0x0  }
0xb3: {  	p4 =	sne.s32 s31, $0x0;
	[tilespmem:s25+$0xFFFFFF00] =	vst @!p5 v4;
	s31 =	spop (v2sf);
	s28 =	simm.s32 @!p0 $0x0  }
0xb4: {  	p1 =	sne.s32 s29, $0x0;
	[tilespmem:s25+$0xFFFFFF10] =	vst @!p5 v4;
	v7 =	vimm.f32 @!p0 $0.0e+00;
	s28 =	simm.s32 @p0 $0x1;
	p0 =	sne.s32 s31, $0x0  }
0xb5: {  	[tilespmem:s25+$0xFFFFFF20] =	vst @!p5 v4;
	s29 =	spop (v2sf);
	[smem:$0x7F6] =	sst s28;
	s28 =	simm.s32 @!p0 $0x0  }
0xb6: {  	v5 =	vimm.f32 @!p4 $0.0e+00;
	[tilespmem:s25+$0xFFFFFF30] =	vst @!p5 v4;
	v1 =	vimm.f32 @!p0 $0.0e+00;
	s28 =	simm.s32 @p0 $0x1;
	p0 =	sne.s32 s29, $0x0  }
0xb7: {  	[tilespmem:s25+$0xFFFFFF40] =	vst @!p4 v5;
	s30 =	spop (v2sf);
	[smem:$0x7F7] =	sst s28;
	s28 =	simm.s32 @!p0 $0x0  }
0xb8: {  	[tilespmem:s25+$0xFFFFFF50] =	vst @!p4 v5;
	s31 =	spop (v2sf);
	v8 =	vimm.f32 @!p0 $0.0e+00;
	s28 =	simm.s32 @p0 $0x1;
	p0 =	sne.s32 s30, $0x0  }
0xb9: {  	[tilespmem:s25+$0xFFFFFF60] =	vst @!p4 v5;
	s29 =	spop (v2sf);
	[smem:$0x7F8] =	sst s28;
	s28 =	simm.s32 @!p0 $0x0  }
0xba: {  	v6 =	vimm.f32 @!p1 $0.0e+00;
	[tilespmem:s25+$0xFFFFFF70] =	vst @!p4 v5;
	s30 =	spop (v2sf);
	v9 =	vimm.f32 @!p0 $0.0e+00;
	s28 =	simm.s32 @p0 $0x1;
	p0 =	sne.s32 s31, $0x0  }
0xbb: {  	[tilespmem:s25+$0xFFFFFF80] =	vst @!p1 v6;
	s31 =	spop (v2sf);
	[smem:$0x7F9] =	sst s28;
	s28 =	simm.s32 @!p0 $0x0  }
0xbc: {  	[tilespmem:s25+$0xFFFFFF90] =	vst @!p1 v6;
	v10 =	vimm.f32 @!p0 $0.0e+00;
	s28 =	simm.s32 @p0 $0x1;
	p0 =	sne.s32 s29, $0x0;
	s29 =	spop (v2sf)  }
0xbd: {  	[tilespmem:s25+$0xFFFFFFA0] =	vst @!p1 v6;
	[smem:$0x7FA] =	sst s28;
	s28 =	simm.s32 @!p0 $0x0;
	p2 =	sne.s32 s29, $0x0  }
0xbe: {  	[tilespmem:s25+$0xFFFFFFB0] =	vst @!p1 v6;
	v2 =	vimm.f32 @!p0 $0.0e+00;
	s28 =	simm.s32 @p0 $0x1;
	p0 =	sne.s32 s30, $0x0;
	v0 =	vimm.f32 @!p2 $0.0e+00;
	s30 =	sld [smem:$0x7F6]  }
0xbf: {  	[tilespmem:s25+$0x1C0] =	vst @!p2 v0  }
0xc0: {  	[tilespmem:s25+$0x1D0] =	vst @!p2 v0  }
0xc1: {  	[tilespmem:s25+$0x1E0] =	vst @!p2 v0;
	p1 =	seq.s32 s30, $0x1  }
0xc2: {  	[tilespmem:s25+$0xFFFFFFC0] =	vst @!p1 v7  }
0xc3: {  	[smem:$0x7FB] =	sst s28;
	s28 =	simm.s32 @!p0 $0x0;
	[tilespmem:s25+$0xFFFFFFD0] =	vst @!p1 v7  }
0xc4: {  	v11 =	vimm.f32 @!p0 $0.0e+00;
	s28 =	simm.s32 @p0 $0x1;
	p0 =	sne.s32 s31, $0x0;
	[tilespmem:s25+$0xFFFFFFE0] =	vst @!p1 v7  }
0xc5: {  	v12 =	vimm.f32 @!p0 $0.0e+00;
	[tilespmem:s25+$0xFFFFFFF0] =	vst @!p1 v7  }
0xc6: {  	s31 =	sld [smem:$0x7F7];
	[tilespmem:s25+$0x180] =	vst @!p0 v12  }
0xc7: {  	[tilespmem:s25+$0x190] =	vst @!p0 v12  }
0xc8: {  	[tilespmem:s25+$0x1A0] =	vst @!p0 v12  }
0xc9: {  	[tilespmem:s25+$0x1B0] =	vst @!p0 v12;
	p1 =	seq.s32 s31, $0x1  }
0xca: {  	s29 =	sld [smem:$0x7F8];
	[tilespmem:s25+$0x0] =	vst @!p1 v1  }
0xcb: {  	[tilespmem:s25+$0x10] =	vst @!p1 v1  }
0xcc: {  	[tilespmem:s25+$0x20] =	vst @!p1 v1  }
0xcd: {  	[tilespmem:s25+$0x30] =	vst @!p1 v1;
	p1 =	seq.s32 s29, $0x1  }
0xce: {  	s30 =	sld [smem:$0x7F9];
	[tilespmem:s25+$0x40] =	vst @!p1 v8  }
0xcf: {  	[tilespmem:s25+$0x50] =	vst @!p1 v8  }
0xd0: {  	[tilespmem:s25+$0x60] =	vst @!p1 v8  }
0xd1: {  	[tilespmem:s25+$0x70] =	vst @!p1 v8;
	p1 =	seq.s32 s30, $0x1  }
0xd2: {  	s31 =	sld [smem:$0x7FA];
	[tilespmem:s25+$0x80] =	vst @!p1 v9  }
0xd3: {  	[tilespmem:s25+$0x90] =	vst @!p1 v9  }
0xd4: {  	[tilespmem:s25+$0xA0] =	vst @!p1 v9  }
0xd5: {  	[tilespmem:s25+$0xB0] =	vst @!p1 v9;
	p1 =	seq.s32 s31, $0x1  }
0xd6: {  	s29 =	sld [smem:$0x7FB];
	[tilespmem:s25+$0xC0] =	vst @!p1 v10  }
0xd7: {  	[tilespmem:s25+$0xD0] =	vst @!p1 v10  }
0xd8: {  	[smem:$0x7FC] =	sst s28;
	[tilespmem:s25+$0xE0] =	vst @!p1 v10  }
0xd9: {  	s31 =	sld [smem:$0x7FD];
	[tilespmem:s25+$0xF0] =	vst @!p1 v10;
	p1 =	seq.s32 s29, $0x1  }
0xda: {  	s30 =	sld [smem:$0x7FC];
	[tilespmem:s25+$0x100] =	vst @!p1 v2  }
0xdb: {  	[tilespmem:s25+$0x110] =	vst @!p1 v2  }
0xdc: {  	[tilespmem:s25+$0x120] =	vst @!p1 v2;
	p0 =	seq.s32 s31, $0x1  }
.Ltmp5:
0xdd: {  	[tilespmem:s25+$0x130] =	vst @!p1 v2;
	p1 =	seq.s32 s30, $0x1;
	(pc) =	sbr.rel @p0 .LBB2_4-.Ltmp5, $4  }
0xde: {  	[tilespmem:s25+$0x140] =	vst @!p1 v11  }
0xdf: {  	[tilespmem:s25+$0x150] =	vst @!p1 v11  }
0xe0: {  	[tilespmem:s25+$0x160] =	vst @!p1 v11  }
0xe1: {  	[tilespmem:s25+$0x170] =	vst @!p1 v11  }
0xe2: {  	s24 =	sshll.u32 s24, $0x3  }
.Ltmp6:
0xe3: {  	[tilespmem:s25+$0x1F0] =	vst @!p2 v0;
	s24 =	sadd.s32 s3, s24;
	(pc) =	sbr.rel .LBB2_6-.Ltmp6, $4  }
0xe4: {  	[hbm4b:s24+s4] =	stream.linear.scatter [tilespmem:s16], [sflag:$0x2], $0x8000, $0x38;
	[tilespmem:$0x8400] =	vst v63  }
0xe5: {  	_ =	swait.ge [sflag:s21], $0x8000  }
0xe6: {  	[sflag:s21] =	ssyncset.done $0x0  }
0xe7: {  	[sflag:s21] =	ssyncadd.s32 $0xFFFF8000  }
.LBB2_8:
0xe8: {  	_ =	sfence.sel $0x180000  }
0xe9: {  	[bflag:$0x0] =	sbarrier.arrive $0xFFFF  }
0xea: {  	p0 =	sne.s32 s6, $0x0;
	_ =	strace $0x90000047  }
0xeb: {  	s0 =	sadd.s32 @!p0 $0x100000, s0;
	[bflag:$0x2] =	sbarrier.arrive $0xFFFF  }
0xec: {  	[sflag:s0] =	ssyncadd.tile.s32 @!p0 $0x1;
	_ =	shalt  }
.Lfunc_end2:
_tile_overlayer_lowered:
.L_overlay_start_2:
0xed: {  	(tag) =	ssettag $0x2  }
0xee: {  	s0 =	rddreg [dreg:$0x0];
	s2 =	stileid.u32  }
0xef: {  	s1 =	rddreg [dreg:$0x1];
	p0 =	sne.s32 s2, $0x0  }
0xf0: {  	s3 =	rddreg [dreg:$0x2];
	[bflag:$0x3] =	sbarrier.arrive $0xFFFF;
	s2 =	simm.s32 @!p0 $0x1C02  }
0xf1: {  	[timem:s3], [sflag:s2] =	dma.local @!p0 [hbm:s0], s1  }
0xf2: {  	s0 =	simm.s32 @!p0 $0x2  }
0xf3: {  	_ =	swait.ge @!p0 [sflag:s0], s1  }
0xf4: {  	s1 =	ssub.s32 @!p0 $0x0, s1;
	[sflag:s0] =	ssyncset.done @!p0 $0x0  }
0xf5: {  	[sflag:s0] =	ssyncadd.s32 @!p0 s1  }
0xf6: {  	[bflag:$0x3] =	sbarrier.arrive $0xFFFF  }
0xf7: {  	_ =	shalt  }

// kernel: sparse-core-data-format-call.cloned.1.call-start
scs
called_computation_lowered:
.L_overlay_start_0:
0x0: {  	s2 =	sld [smem:$0x3FD9]  }
0x1: {  	s3 =	sld [smem:$0x3FFE];
	_ =	sdelay $0x1  }
0x2: {  	s1 =	srdreg.scid  }
0x3: {  	s0 =	sand.u32 $0x1, s1  }
0x4: {  	s18 =	sshll.u32 s0, $0xA;
	s2 =	sadd.s32 s3, s2  }
0x5: {  	s2 =	sadd.s32 s2, s18  }
0x6: {  	[smem:$0x3FC5] =	sst s2  }
0x7: {  	_ = 	snop  }
0x8: {  	s2 =	sld [smem:$0x3FD0];
	(tm) =	ssettm $0x1  }
0x9: {  	s19 =	sld [smem:$0x3FFB];
	_ =	sdelay $0x3  }
0xa: {  	_ =	strace s19  }
0xb: {  	s3 =	sld [smem:$0x3FFC];
	_ =	sdelay $0x3  }
0xc: {  	_ =	strace s3  }
0xd: {  	s3 =	sld [smem:$0x3FFD];
	_ =	sdelay $0x3  }
0xe: {  	_ =	strace s3  }
0xf: {  	_ =	strace $0x8FFFFFFF  }
0x10: {  	s20 =	sld [smem:$0x3FDB];
	_ =	sdelay $0x1  }
0x11: {  	s4 =	simm.s32 $_scs_section_size  }
0x12: {  	s5 =	simm.s32 $_size__tile_overlayer_lowered;
	s6 =	simm.s32 $_tile_overlayer_lowered  }
0x13: {  	s23 =	simm.s32 $0x1BFF;
	s22 =	sshll.u32 s6, $0x1;
	s3 =	sadd.s32 s4, s20  }
0x14: {  	s7 =	simm.s32 $0x0;
	s21 =	sshll.u32 s5, $0x1;
	s5 =	sadd.s32 s22, s3  }
0x15: {  	[timem:s7], [sflag:s23] =	dma.local [hbm:s5], s21  }
0x16: {  	_ =	swait.ge [sflag:s23], s21  }
0x17: {  	s4 =	ssub.s32 $0x0, s21;
	[sflag:s23] =	ssyncset.done $0x0  }
0x18: {  	[sflag:s23] =	ssyncadd.s32 s4;
	_ =	sdelay $0x1  }
0x19: {  	s24 =	simm.s32 $0x1B8B  }
0x1a: {  	_ =	swait.ge [sflag:s24], $0x1  }
0x1b: {  	[sflag:s24] =	ssyncset.done $0x0  }
0x1c: {  	s26 =	simm.s32 $0x1B8E;
	s25 =	sld [smem:$0x3FFE];
	[sflag:s24] =	ssyncadd.s32 $0xFFFFFFFF  }
0x1d: {  	s27 =	simm.s32 $execute0_lowered;
	[smem:$0x3FD2] =	sst s26  }
0x1e: {  	s5 =	sshll.u32 s27, $0x1;
	_ =	strace $0x80000049;
	[dreg:$0x1] =	wrdreg $0xFFFFFFFF  }
0x1f: {  	s28 =	simm.s32 $_size_execute0_lowered;
	s3 =	sadd.s32 s3, s5;
	[dreg:$0x0] =	wrdreg $0x0  }
0x20: {  	s5 =	sshll.u32 s28, $0x1;
	[dreg:$0x2] =	wrdreg s3  }
0x21: {  	[dreg:$0x3] =	wrdreg s5  }
0x22: {  	[dreg:$0x4] =	wrdreg $0xC0  }
0x23: {  	_ =	task [dreg:s7], $0x5FFFF  }
0x24: {  	[dreg:$0x1] =	wrdreg $0xFFFFFFFF  }
0x25: {  	[dreg:$0x0] =	wrdreg $0x60  }
0x26: {  	[dreg:$0x2] =	wrdreg s25  }
0x27: {  	[dreg:$0x3] =	wrdreg s2  }
0x28: {  	[dreg:$0x4] =	wrdreg $0x9  }
0x29: {  	_ =	task.clear_ibuf [dreg:s7], $0x5FFFF;
	_ =	strace $0x90000049  }
0x2a: {  	s29 =	simm.s32 $0x9;
	_ =	strace $0x8000004B  }
0x2b: {  	_ =	swait.ge [sflag:s29], $0x1  }
0x2c: {  	[sflag:s29] =	ssyncadd.s32 $0xFFFFFFFF  }
0x2d: {  	_ =	strace $0x9000004B  }
0x2e: {  	_ =	sfence  }
0x2f: {  	s30 =	sld [smem:$0x0];
	_ =	sdelay $0x2  }
0x30: {  	s31 =	sshll.u32 s1, $0xD;
	s1 =	sshrl.u32 s1, $0x2  }
0x31: {  	s3 =	sand.u32 $0x4000, s31;
	s1 =	sadd.s32 s1, s30  }
0x32: {  	s0 =	sor.u32 s3, s0;
	s1 =	sshll.u32 s1, $0x11  }
0x33: {  	s0 =	sor.u32 s1, s0  }
0x34: {  	s0 =	sadd.s32 $0x8F2B, s0  }
0x35: {  	[sflag:s0] =	ssyncadd.remote.s32 $0x1  }
0x36: {  	_ =	sfence.sel $0xFFFF  }
0x37: {  	[dreg:$0x0] =	wrdreg $0xFFFFFFFF;
	(pc) =	sbr.abs _section_cstart, $3  }
0x38: {  	[dreg:$0x1] =	wrdreg $0xFFFFFFFF  }
0x39: {  	_ =	task.clear_ibuf [dreg:s7], $0x2FFFF;
	_ =	strace $0x9FFFFFFF  }
0x3a: {  	(tm) =	ssettm $0x7FFFFFFF  }
0x3b: {  	_ =	shalt  }
tec
execute0_lowered:
.L_overlay_start_1:
0x0: {  	(tag) =	ssettag $0x1  }
0x1: {  	s4 =	rddreg [dreg:$0x0]  }
0x2: {  	s0 =	srdreg.scid;
	s2 =	rddreg [dreg:$0x1]  }
0x3: {  	s1 =	stileid.u32;
	s5 =	simm.s32 $0x1;
	s0 =	sshll.u32 s0, $0x4  }
0x4: {  	s7 =	simm.s32 $0x2;
	s11 =	simm.s32 $0x0;
	s3 =	sand.u32 $0x10, s0  }
.Ltmp0:
0x5: {  	p0 =	por $0x0, $0x0;
	s3 =	sor.u32 s1, s3;
	(pc) =	sbr.rel .LBB1_1-.Ltmp0, $4  }
0x6: {  	s8 =	simm.s32 $0xB71C00;
	s10 =	simm.s32 $0x0;
	s3 =	sshll.u32 s3, $0x7  }
0x7: {  	s0 =	rddreg [dreg:$0x2];
	_ =	strace $0x8000004A;
	s6 =	ssub.s32 $0x16E300, s3  }
0x8: {  	s4 =	sadd.s32 $0x800, s4;
	[sflag:s5] =	ssyncpa.u1 $0x0;
	s6 =	sshrl.u32 s6, $0xC  }
0x9: {  	[sflag:s7] =	ssyncpa.u1 $0x0;
	s9 =	smov.u32 s3;
	s7 =	sadd.s32 $0x2, s6  }
.LBB1_5:
0xa: {  	s13 =	sadd.s32 $0x1000, s9  }
0xb: {  	p2 =	sgt.s32 s13, $0x16E35F  }
0xc: {  	s13 =	smov.u32 @p2 s3;
	p2 =	sne.s32 s10, s7  }
.Ltmp1:
0xd: {  	p1 =	slt.u32 s10, $0x2;
	(pc) =	sbr.rel @!p2 .LBB1_6-.Ltmp1, $4  }
0xe: {  	s12 =	simm.s32 @!p1 $0x2  }
0xf: {  	s14 =	sadd.s32 $0x1, s10;
	_ =	swait.ge @!p1 [sflag:s12], $0x2000  }
0x10: {  	s11 =	smov.u32 s9;
	p0 =	por !p0, !p0;
	[sflag:s12] =	ssyncset.done @!p1 $0x0  }
0x11: {  	s10 =	smov.u32 s14;
	s9 =	smov.u32 s13;
	[sflag:s12] =	ssyncadd.s32 @!p1 $0xFFFFE000  }
.LBB1_1:
0x12: {  	p1 =	sgt.u32 s10, s6  }
0x13: {  	s13 =	smov.u32 s9;
	p2 =	sgt.s32 @!p1 s9, $0x16E2E0  }
0x14: {  	s12 =	sand.u32 @!p1 $0x1FFFFFF, s9;
	s14 =	sshra.s32 @!p1 s9, $0x1F;
	p2 =	por !p2, p1  }
0x15: {  	s15 =	smulhi.u32 @!p1 $0x2CBD3F1, s12;
	s14 =	sand.u32 @!p1 s14, s9;
	s13 =	simm.s32 @p2 $0x16E2E0  }
0x16: {  	s13 =	ssub.s32 @!p1 s13, s14  }
0x17: {  	s14 =	sshrl.u32 @!p1 s15, $0xE;
	s13 =	sadd.s32 @!p1 $0xFFE91D20, s13  }
0x18: {  	s15 =	sxor.u32 @!p1 $0xFFFFFFFF, s10;
	s14 =	smul.u32 @!p1 $0x16E360, s14;
	s16 =	sshll.u32 @!p1 s13, $0x8  }
0x19: {  	s15 =	sshll.u32 @!p1 s15, $0xD;
	p2 =	sgt.s32 @!p1 s13, $0x7F;
	s13 =	ssub.s32 @!p1 $0x8000, s16  }
0x1a: {  	s12 =	ssub.s32 @!p1 s12, s14;
	p2 =	por !p2, p1;
	s14 =	sand.u32 @!p1 $0x2000, s15  }
0x1b: {  	s15 =	simm.s32 @!p1 $0x40;
	s13 =	sshrl.u32 @!p1 s13, $0x2;
	s12 =	sshll.u32 @!p1 s12, $0x4  }
0x1c: {  	s16 =	simm.s32 @!p1 $0x80;
	s13 =	simm.s32 @!p2 $0x0;
	s12 =	sadd.s32 @!p1 s4, s12  }
0x1d: {  	[tilespmem:s14], [sflag:$0x1] =	stream.strided.gather @!p1 [hbm4b:s12+s15], s13, s16, s15, $0x38;
	[tilespmem:$0x8080] =	vst v63  }
0x1e: {  	p1 =	seq.s32 s10, $0x0  }
0x1f: {  	p2 =	sge.u32 @!p1 s10, s7  }
0x20: {  	p1 =	por p1, p2  }
.Ltmp2:
0x21: {  	_ = 	snop;
	(pc) =	sbr.rel @p1 .LBB1_5-.Ltmp2, $1  }
0x22: {  	_ =	sdelay $0x3  }
0x23: {  	p1 =	sgt.s32 s11, $0x16E2E0;
	s12 =	smov.u32 s11;
	s13 =	sshra.s32 s11, $0x1F  }
0x24: {  	s12 =	simm.s32 @!p1 $0x16E2E0;
	s13 =	sand.u32 s13, s11  }
0x25: {  	s12 =	ssub.s32 s12, s13  }
0x26: {  	s12 =	sadd.s32 $0xFFE91D20, s12  }
0x27: {  	s28 =	sshll.u32 s12, $0x8  }
0x28: {  	s13 =	ssub.s32 $0x8000, s28  }
0x29: {  	p1 =	sgt.s32 s12, $0x7F;
	s12 =	sshrl.u32 s13, $0x2  }
0x2a: {  	s13 =	simm.s32 $0x1;
	s12 =	simm.s32 @p1 $0x0  }
0x2b: {  	s13 =	simm.s32 @!p0 $0x0;
	_ =	swait.ge [sflag:s5], s12  }
0x2c: {  	s14 =	sshll.u32 s13, $0xD;
	s12 =	ssub.s32 $0x0, s12;
	[sflag:s5] =	ssyncset.done $0x0  }
0x2d: {  	s16 =	sor.u32 $0x20, s14;
	[sflag:s5] =	ssyncadd.s32 s12  }
0x2e: {  	s29 =	smul.u32 $0x8100, s13;
	v3 =	vld [tilespmem:s16+$0x10]  }
0x2f: {  	s30 =	sand.u32 $0x1, s10;
	v2 =	vld [tilespmem:s16+$0xFFFFFFF0]  }
0x30: {  	s13 =	smul.u32 $0x8100, s30;
	s12 =	sshrl.u32 s29, $0x2;
	v0 =	vld [tilespmem:s16+$0x0]  }
0x31: {  	s14 =	sor.u32 $0x4000, s12;
	v1 =	vld [tilespmem:s16+$0xFFFFFFE0]  }
0x32: {  	s31 =	sshrl.u32 s13, $0x2;
	s13 =	sadd.s32 $0x0, s14  }
0x33: {  	s15 =	simm.s32 $0x4;
	s12 =	sor.u32 $0x4000, s31;
	s16 =	sadd.s32 $0x40, s16;
	[tilespmem:s13+$0x1830 ss:$0x81] =	vst.msk $0xffff, v3  }
.LBB1_3:
0x34: {  	v3 =	vld [tilespmem:s16+$0x10];
	p1 =	sne.s32 s15, $0x1FC;
	[tilespmem:s13+$0x810 ss:$0x81] =	vst.msk $0xffff, v2;
	s17 =	smov.u32 s15;
	s15 =	sadd.s32 $0x4, s15  }
.Ltmp3:
0x35: {  	v2 =	vld [tilespmem:s16+$0xFFFFFFF0];
	[tilespmem:s13+$0x1020 ss:$0x81] =	vst.msk $0xffff, v0;
	(pc) =	sbr.rel @p1 .LBB1_3-.Ltmp3, $4  }
0x36: {  	v0 =	vld [tilespmem:s16+$0x0];
	[tilespmem:s13+$0x0 ss:$0x81] =	vst.msk $0xffff, v1  }
0x37: {  	s13 =	sshra.s32 s17, $0x2;
	v1 =	vld [tilespmem:s16+$0xFFFFFFE0]  }
0x38: {  	s13 =	sadd.s32 s13, s14  }
0x39: {  	s16 =	sadd.s32 $0x40, s16;
	[tilespmem:s13+$0x1830 ss:$0x81] =	vst.msk $0xffff, v3  }
0x3a: {  	s14 =	sshll.u32 s11, $0x3  }
0x3b: {  	s30 =	sand.u32 $0x7F, s11;
	s14 =	sand.u32 $0xFFFFFC00, s14  }
0x3c: {  	s11 =	sor.u32 s30, s14  }
0x3d: {  	s15 =	smulhi.u32 $0x597A00EB, s11;
	_ =	sdelay $0x1  }
0x3e: {  	s14 =	smulhi.u32 $0x597A00EB, s14;
	s15 =	sshrl.u32 s15, $0x13  }
0x3f: {  	s15 =	smul.u32 $0x16E380, s15  }
0x40: {  	s14 =	sshrl.u32 s14, $0x13  }
.Ltmp4:
0x41: {  	s14 =	sand.u32 $0x3F, s14;
	s11 =	ssub.s32 s11, s15;
	(pc) =	sbr.rel .LBB1_5-.Ltmp4, $4  }
0x42: {  	[tilespmem:s13+$0x810 ss:$0x81] =	vst.msk $0xffff, v2;
	s14 =	smul.u32 $0x2DC70, s14;
	s15 =	sshrl.u32 s11, $0x3;
	s11 =	sand.u32 $0x7, s11  }
0x43: {  	[tilespmem:s13+$0x1020 ss:$0x81] =	vst.msk $0xffff, v0;
	s15 =	sadd.s32 s2, s15;
	s11 =	sshll.u32 s11, $0x12  }
0x44: {  	[tilespmem:s13+$0x0 ss:$0x81] =	vst.msk $0xffff, v1;
	s31 =	sadd.s32 s14, s15;
	s11 =	sor.u32 $0x400, s11  }
0x45: {  	[hbm4b:s31+s11] =	stream.strided.scatter [tilespmem:s12], [sflag:$0x2], $0x2000, s8, s11, $0x20;
	[tilespmem:$0x8080] =	vst v63  }
.LBB1_6:
0x46: {  	_ =	sfence.sel $0x180000  }
0x47: {  	s2 =	simm.s32 $0x1;
	[bflag:$0x0] =	sbarrier.arrive $0xFFFF  }
0x48: {  	s31 =	simm.s32 $0x2;
	[sflag:s2] =	ssyncpa.u1 $0x1  }
0x49: {  	[sflag:s31] =	ssyncpa.u1 $0x1  }
0x4a: {  	p0 =	sne.s32 s1, $0x0;
	_ =	strace $0x9000004A  }
0x4b: {  	s0 =	sadd.s32 @!p0 $0x100000, s0;
	[bflag:$0x2] =	sbarrier.arrive $0xFFFF  }
0x4c: {  	[sflag:s0] =	ssyncadd.tile.s32 @!p0 $0x1;
	_ =	shalt  }
.Lfunc_end1:
_tile_overlayer_lowered:
.L_overlay_start_2:
0x4d: {  	(tag) =	ssettag $0x2  }
0x4e: {  	s0 =	rddreg [dreg:$0x0];
	s2 =	stileid.u32  }
0x4f: {  	s1 =	rddreg [dreg:$0x1];
	p0 =	sne.s32 s2, $0x0  }
0x50: {  	s3 =	rddreg [dreg:$0x2];
	[bflag:$0x3] =	sbarrier.arrive $0xFFFF;
	s2 =	simm.s32 @!p0 $0x1C01  }
0x51: {  	[timem:s3], [sflag:s2] =	dma.local @!p0 [hbm:s0], s1  }
0x52: {  	s0 =	simm.s32 @!p0 $0x1  }
0x53: {  	_ =	swait.ge @!p0 [sflag:s0], s1  }
0x54: {  	s1 =	ssub.s32 @!p0 $0x0, s1;
	[sflag:s0] =	ssyncset.done @!p0 $0x0  }
0x55: {  	[sflag:s0] =	ssyncadd.s32 @!p0 s1  }
0x56: {  	[bflag:$0x3] =	sbarrier.arrive $0xFFFF  }
0x57: {  	_ =	shalt  }

</sc_bundles>
